<compile_context>
chip_gen: v7x
topology: tpu7x:2x2x1
jax: 0.10.2.dev20260603
libtpu: 0.0.44.dev20260713+nightly
codegen_flags: <defaults>
</compile_context>

<pallas_src>
import functools

import jax
import jax.numpy as jnp
from jax import lax
from jax.experimental import pallas as pl
from jax.experimental.pallas import tpu as pltpu
from jax.experimental.pallas import tpu_sc as plsc

NUM_TOKENS = 16384
HIDDEN = 768
EPS = 1e-7
LANES = 16
NUM_WORKERS = 32
TOK_PER_W = NUM_TOKENS // NUM_WORKERS
CHUNK = 16
NCHUNK = TOK_PER_W // CHUNK
NPAIR = NCHUNK // 2
DVECS = HIDDEN // LANES


def _rsqrt(x):
    i = lax.bitcast_convert_type(x, jnp.int32)
    i = jnp.full((LANES,), 0x5F3759DF, jnp.int32) - (i >> 1)
    y = lax.bitcast_convert_type(i, jnp.float32)
    half = x * 0.5
    for _ in range(3):
        y = y * (1.5 - half * y * y)
    return y


_GATHER_DNUMS = lax.GatherDimensionNumbers(
    offset_dims=(), collapsed_slice_dims=(0,), start_index_map=(0,))


def _allreduce_sum(v):
    lane = lax.iota(jnp.int32, LANES)
    for shift in (8, 4, 2, 1):
        idx = lane ^ shift
        v = v + lax.gather(v, idx[:, None], _GATHER_DNUMS, (1,),
                           mode=lax.GatherScatterMode.PROMISE_IN_BOUNDS)
    return v


def _sc_body(ids_hbm, pids_hbm, word_hbm, pos_hbm, gamma_hbm, beta_hbm,
             out_hbm,
             idx_w0, idx_p0, rows_w0, rows_p0,
             idx_w1, idx_p1, rows_w1, rows_p1,
             out0, out1, gam_v, bet_v,
             sem_w0, sem_p0, sem_w1, sem_p1, sem_o0, sem_o1):
    wid = lax.axis_index("s") * 2 + lax.axis_index("c")
    base = wid * TOK_PER_W

    pltpu.sync_copy(gamma_hbm, gam_v)
    pltpu.sync_copy(beta_hbm, bet_v)

    bufs = ((idx_w0, idx_p0, rows_w0, rows_p0, out0, sem_w0, sem_p0, sem_o0),
            (idx_w1, idx_p1, rows_w1, rows_p1, out1, sem_w1, sem_p1, sem_o1))

    def start_gather(buf, cbase):
        idx_w, idx_p, rows_w, rows_p = buf[0], buf[1], buf[2], buf[3]
        pltpu.sync_copy(ids_hbm.at[pl.ds(cbase, CHUNK)], idx_w)
        pltpu.sync_copy(pids_hbm.at[pl.ds(cbase, CHUNK)], idx_p)
        pltpu.make_async_copy(word_hbm.at[idx_w], rows_w, buf[5]).start()
        pltpu.make_async_copy(pos_hbm.at[idx_p], rows_p, buf[6]).start()

    def wait_gather(buf):
        pltpu.make_async_copy(word_hbm.at[buf[0]], buf[2], buf[5]).wait()
        pltpu.make_async_copy(pos_hbm.at[buf[1]], buf[3], buf[6]).wait()

    def start_wb(buf, cbase):
        pltpu.make_async_copy(buf[4], out_hbm.at[pl.ds(cbase, CHUNK)],
                              buf[7]).start()

    def wait_wb(buf, cbase):
        pltpu.make_async_copy(buf[4], out_hbm.at[pl.ds(cbase, CHUNK)],
                              buf[7]).wait()

    def process_chunk(buf):
        rows_w, rows_p, out_v = buf[2], buf[3], buf[4]

        GRP = 8 * LANES

        def one_row(r, _):
            z = jnp.zeros((LANES,), jnp.float32)

            @plsc.parallel_loop(0, HIDDEN, GRP, unroll=2, carry=(z,) * 8)
            def acc_out(d, carry):
                a = list(carry[:4])
                a2 = list(carry[4:])
                for k in range(8):
                    sl = pl.ds(d + k * LANES, LANES)
                    v = rows_w[r, sl] + rows_p[r, sl]
                    out_v[r, sl] = v
                    a[k % 4] = a[k % 4] + v
                    a2[k % 4] = a2[k % 4] + v * v
                return tuple(a) + tuple(a2)

            c = acc_out
            acc = (c[0] + c[1]) + (c[2] + c[3])
            acc2 = (c[4] + c[5]) + (c[6] + c[7])
            mean = _allreduce_sum(acc) * (1.0 / HIDDEN)
            var = _allreduce_sum(acc2) * (1.0 / HIDDEN) - mean * mean
            rstd = _rsqrt(var + EPS)
            mrs = mean * rstd

            @plsc.parallel_loop(0, HIDDEN, GRP, unroll=2)
            def norm(d):
                for k in range(8):
                    sl = pl.ds(d + k * LANES, LANES)
                    out_v[r, sl] = ((out_v[r, sl] * rstd - mrs) * gam_v[sl]
                                    + bet_v[sl])

            return 0

        lax.fori_loop(0, CHUNK, one_row, 0)

    start_gather(bufs[0], base)

    def pair(h, _):
        c0 = base + (2 * h) * CHUNK
        c1 = c0 + CHUNK
        start_gather(bufs[1], c1)

        @pl.when(h > 0)
        def _():
            wait_wb(bufs[0], c0 - 2 * CHUNK)

        wait_gather(bufs[0])
        process_chunk(bufs[0])
        start_wb(bufs[0], c0)

        @pl.when(h < NPAIR - 1)
        def _():
            start_gather(bufs[0], c0 + 2 * CHUNK)

        @pl.when(h > 0)
        def _():
            wait_wb(bufs[1], c1 - 2 * CHUNK)

        wait_gather(bufs[1])
        process_chunk(bufs[1])
        start_wb(bufs[1], c1)
        return 0

    lax.fori_loop(0, NPAIR, pair, 0)

    last0 = base + (NCHUNK - 2) * CHUNK
    wait_wb(bufs[0], last0)
    wait_wb(bufs[1], last0 + CHUNK)


def kernel(input_ids, seq_lens, position_ids, word_embeddings,
           position_embeddings, ln_gamma, ln_beta):
    del seq_lens
    mesh = plsc.VectorSubcoreMesh(core_axis_name="c", subcore_axis_name="s")
    k = functools.partial(
        pl.kernel,
        mesh=mesh,
        out_type=jax.ShapeDtypeStruct((NUM_TOKENS, HIDDEN), jnp.float32),
        scratch_types=[
            pltpu.VMEM((CHUNK,), jnp.int32),
            pltpu.VMEM((CHUNK,), jnp.int32),
            pltpu.VMEM((CHUNK, HIDDEN), jnp.float32),
            pltpu.VMEM((CHUNK, HIDDEN), jnp.float32),
            pltpu.VMEM((CHUNK,), jnp.int32),
            pltpu.VMEM((CHUNK,), jnp.int32),
            pltpu.VMEM((CHUNK, HIDDEN), jnp.float32),
            pltpu.VMEM((CHUNK, HIDDEN), jnp.float32),
            pltpu.VMEM((CHUNK, HIDDEN), jnp.float32),
            pltpu.VMEM((CHUNK, HIDDEN), jnp.float32),
            pltpu.VMEM((HIDDEN,), jnp.float32),
            pltpu.VMEM((HIDDEN,), jnp.float32),
            pltpu.SemaphoreType.DMA,
            pltpu.SemaphoreType.DMA,
            pltpu.SemaphoreType.DMA,
            pltpu.SemaphoreType.DMA,
            pltpu.SemaphoreType.DMA,
            pltpu.SemaphoreType.DMA,
        ],
    )(_sc_body)
    return k(input_ids.astype(jnp.int32), position_ids.astype(jnp.int32),
             word_embeddings, position_embeddings, ln_gamma, ln_beta)

# --- scband reference (transcript-rebuilt; emitter-appended) ---
"""Pipeline reference for scband-deberta-v2-embeddings-13374528160409 (READ-ONLY COPY).

The authoritative reference and input builder live on the scoring server;
editing this copy changes nothing except your own understanding.
"""

import jax, jax.numpy as jnp
import numpy as np

VOCAB = 128100
HIDDEN = 768
MAX_POS = 8192
NUM_TOKENS = 16384
EPS = 1e-7


def setup_inputs(seed: int = 0) -> dict:
    key = jax.random.key(seed)
    k1, k2, k3, k4, k5 = jax.random.split(key, 5)
    input_ids = jax.random.randint(k1, (NUM_TOKENS,), 0, VOCAB, dtype=jnp.int64 if jax.config.jax_enable_x64 else jnp.int32)
    seq_lens = jax.random.randint(k2, (2,), 0, MAX_POS, dtype=jnp.int64 if jax.config.jax_enable_x64 else jnp.int32)
    position_ids = jax.random.randint(k3, (NUM_TOKENS,), 0, MAX_POS, dtype=jnp.int64 if jax.config.jax_enable_x64 else jnp.int32)
    word_embeddings = jax.random.normal(k4, (VOCAB, HIDDEN), dtype=jnp.float32) * 0.02
    position_embeddings = jax.random.normal(k5, (MAX_POS, HIDDEN), dtype=jnp.float32) * 0.02
    ln_gamma = jnp.ones((HIDDEN,), dtype=jnp.float32)
    ln_beta = jnp.zeros((HIDDEN,), dtype=jnp.float32)
    return {
        "input_ids": input_ids,
        "seq_lens": seq_lens,
        "position_ids": position_ids,
        "word_embeddings": word_embeddings,
        "position_embeddings": position_embeddings,
        "ln_gamma": ln_gamma,
        "ln_beta": ln_beta,
    }


def reference(input_ids, seq_lens, position_ids, word_embeddings, position_embeddings, ln_gamma, ln_beta):
    # word embedding lookup (gather)
    inputs_embeds = jnp.take(word_embeddings, input_ids, axis=0)
    embeddings = inputs_embeds
    # position_biased_input=True -> add position embeddings (gather)
    pos_embeds = jnp.take(position_embeddings, position_ids, axis=0)
    embeddings = embeddings + pos_embeds
    # type_vocab_size=0 -> no token type embeddings
    # LayerNorm
    mean = jnp.mean(embeddings, axis=-1, keepdims=True)
    var = jnp.mean(jnp.square(embeddings - mean), axis=-1, keepdims=True)
    normed = (embeddings - mean) / jnp.sqrt(var + EPS)
    out = normed * ln_gamma + ln_beta
    # dropout in eval mode is identity
    return out

if __name__ == "__main__":
    import jax
    _d = setup_inputs()
    print(jax.jit(kernel)(*tuple(_d.values())))

</pallas_src>

<mosaic_0001>
#map = affine_map<(d0, d1) -> (0)>
#map1 = affine_map<(d0, d1) -> (0, 0)>
module attributes {stable_mosaic.version = 14 : i64} {
  func.func @_sc_body(%arg0: i32, %arg1: i32, %arg2: memref<16384xi32, #tpu.memory_space<hbm>>, %arg3: memref<16384xi32, #tpu.memory_space<hbm>>, %arg4: memref<128100x768xf32, #tpu.memory_space<hbm>>, %arg5: memref<8192x768xf32, #tpu.memory_space<hbm>>, %arg6: memref<768xf32, #tpu.memory_space<hbm>>, %arg7: memref<768xf32, #tpu.memory_space<hbm>>, %arg8: memref<16384x768xf32, #tpu.memory_space<hbm>>, %arg9: memref<16xi32, #tpu.memory_space<vmem>>, %arg10: memref<16xi32, #tpu.memory_space<vmem>>, %arg11: memref<16x768xf32, #tpu.memory_space<vmem>>, %arg12: memref<16x768xf32, #tpu.memory_space<vmem>>, %arg13: memref<16xi32, #tpu.memory_space<vmem>>, %arg14: memref<16xi32, #tpu.memory_space<vmem>>, %arg15: memref<16x768xf32, #tpu.memory_space<vmem>>, %arg16: memref<16x768xf32, #tpu.memory_space<vmem>>, %arg17: memref<16x768xf32, #tpu.memory_space<vmem>>, %arg18: memref<16x768xf32, #tpu.memory_space<vmem>>, %arg19: memref<768xf32, #tpu.memory_space<vmem>>, %arg20: memref<768xf32, #tpu.memory_space<vmem>>, %arg21: memref<!tpu.dma_semaphore, #tpu.memory_space<semaphore_mem>>, %arg22: memref<!tpu.dma_semaphore, #tpu.memory_space<semaphore_mem>>, %arg23: memref<!tpu.dma_semaphore, #tpu.memory_space<semaphore_mem>>, %arg24: memref<!tpu.dma_semaphore, #tpu.memory_space<semaphore_mem>>, %arg25: memref<!tpu.dma_semaphore, #tpu.memory_space<semaphore_mem>>, %arg26: memref<!tpu.dma_semaphore, #tpu.memory_space<semaphore_mem>>) attributes {dimension_semantics = [#tpu.dimension_semantics<core_parallel>, #tpu.dimension_semantics<subcore_parallel>], iteration_bounds = array<i64: 2, 16>, scalar_prefetch = 0 : i64, scratch_operands = 18 : i64, tpu.core_type = #tpu.core_type<sc_vector_subcore>, window_params = [{transform_indices = #map}, {transform_indices = #map}, {transform_indices = #map1}, {transform_indices = #map1}, {transform_indices = #map}, {transform_indices = #map}, {transform_indices = #map1}]} {
    %mul3A = arith.constant 2 : i32
    %mul3A_0 = arith.muli %arg1, %mul3A : i32
    %add3A = arith.addi %mul3A_0, %arg0 : i32
    %mul3A_1 = arith.constant 512 : i32
    %mul3A_2 = arith.muli %add3A, %mul3A_1 : i32
    "tpu.region"() ({
      %run_scoped3A = tpu.sem_alloc : memref<!tpu.dma_semaphore, #tpu.memory_space<semaphore_mem>>
      tpu.enqueue_dma source(%arg6 : memref<768xf32, #tpu.memory_space<hbm>>) target(%arg19 : memref<768xf32, #tpu.memory_space<vmem>>) target_semaphore(%run_scoped3A : memref<!tpu.dma_semaphore, #tpu.memory_space<semaphore_mem>>)
      tpu.wait_dma2 semaphore(%run_scoped3A : memref<!tpu.dma_semaphore, #tpu.memory_space<semaphore_mem>>) src(%arg6 : memref<768xf32, #tpu.memory_space<hbm>>) dst(%arg19 : memref<768xf32, #tpu.memory_space<vmem>>)
      tpu.yield
    }) : () -> ()
    "tpu.region"() ({
      %run_scoped3A = tpu.sem_alloc : memref<!tpu.dma_semaphore, #tpu.memory_space<semaphore_mem>>
      tpu.enqueue_dma source(%arg7 : memref<768xf32, #tpu.memory_space<hbm>>) target(%arg20 : memref<768xf32, #tpu.memory_space<vmem>>) target_semaphore(%run_scoped3A : memref<!tpu.dma_semaphore, #tpu.memory_space<semaphore_mem>>)
      tpu.wait_dma2 semaphore(%run_scoped3A : memref<!tpu.dma_semaphore, #tpu.memory_space<semaphore_mem>>) src(%arg7 : memref<768xf32, #tpu.memory_space<hbm>>) dst(%arg20 : memref<768xf32, #tpu.memory_space<vmem>>)
      tpu.yield
    }) : () -> ()
    "tpu.region"() ({
      %run_scoped3A = tpu.sem_alloc : memref<!tpu.dma_semaphore, #tpu.memory_space<semaphore_mem>>
      %dma_start3A_25 = tpu.memref_slice %arg2[%mul3A_2] : memref<16384xi32, #tpu.memory_space<hbm>> -> memref<16xi32, #tpu.memory_space<hbm>>
      %dma_start3A_26 = tpu.memref_slice %arg2[%mul3A_2] : memref<16384xi32, #tpu.memory_space<hbm>> -> memref<16xi32, #tpu.memory_space<hbm>>
      tpu.enqueue_dma source(%dma_start3A_26 : memref<16xi32, #tpu.memory_space<hbm>>) target(%arg9 : memref<16xi32, #tpu.memory_space<vmem>>) target_semaphore(%run_scoped3A : memref<!tpu.dma_semaphore, #tpu.memory_space<semaphore_mem>>)
      %dma_wait3A_27 = tpu.memref_slice %arg2[%mul3A_2] : memref<16384xi32, #tpu.memory_space<hbm>> -> memref<16xi32, #tpu.memory_space<hbm>>
      %dma_wait3A_28 = tpu.memref_slice %arg2[%mul3A_2] : memref<16384xi32, #tpu.memory_space<hbm>> -> memref<16xi32, #tpu.memory_space<hbm>>
      tpu.wait_dma2 semaphore(%run_scoped3A : memref<!tpu.dma_semaphore, #tpu.memory_space<semaphore_mem>>) src(%dma_wait3A_28 : memref<16xi32, #tpu.memory_space<hbm>>) dst(%arg9 : memref<16xi32, #tpu.memory_space<vmem>>)
      tpu.yield
    }) : () -> ()
    "tpu.region"() ({
      %run_scoped3A = tpu.sem_alloc : memref<!tpu.dma_semaphore, #tpu.memory_space<semaphore_mem>>
      %dma_start3A_25 = tpu.memref_slice %arg3[%mul3A_2] : memref<16384xi32, #tpu.memory_space<hbm>> -> memref<16xi32, #tpu.memory_space<hbm>>
      %dma_start3A_26 = tpu.memref_slice %arg3[%mul3A_2] : memref<16384xi32, #tpu.memory_space<hbm>> -> memref<16xi32, #tpu.memory_space<hbm>>
      tpu.enqueue_dma source(%dma_start3A_26 : memref<16xi32, #tpu.memory_space<hbm>>) target(%arg10 : memref<16xi32, #tpu.memory_space<vmem>>) target_semaphore(%run_scoped3A : memref<!tpu.dma_semaphore, #tpu.memory_space<semaphore_mem>>)
      %dma_wait3A_27 = tpu.memref_slice %arg3[%mul3A_2] : memref<16384xi32, #tpu.memory_space<hbm>> -> memref<16xi32, #tpu.memory_space<hbm>>
      %dma_wait3A_28 = tpu.memref_slice %arg3[%mul3A_2] : memref<16384xi32, #tpu.memory_space<hbm>> -> memref<16xi32, #tpu.memory_space<hbm>>
      tpu.wait_dma2 semaphore(%run_scoped3A : memref<!tpu.dma_semaphore, #tpu.memory_space<semaphore_mem>>) src(%dma_wait3A_28 : memref<16xi32, #tpu.memory_space<hbm>>) dst(%arg10 : memref<16xi32, #tpu.memory_space<vmem>>)
      tpu.yield
    }) : () -> ()
    %dma_start3A = arith.constant 0 : i32
    %dma_start3A_3 = arith.constant 0 : i32
    %dma_start3A_4 = tpu.memref_slice %arg4[%dma_start3A, %dma_start3A_3] : memref<128100x768xf32, #tpu.memory_space<hbm>> -> memref<128100x768xf32, #tpu.memory_space<hbm>>
    tpu.enqueue_indirect_dma source(%dma_start3A_4 : memref<128100x768xf32, #tpu.memory_space<hbm>>) target(%arg11 : memref<16x768xf32, #tpu.memory_space<vmem>>) offsets(%arg9 : memref<16xi32, #tpu.memory_space<vmem>>) semaphore(%arg21 : memref<!tpu.dma_semaphore, #tpu.memory_space<semaphore_mem>>)
    %dma_start3A_5 = arith.constant 0 : i32
    %dma_start3A_6 = arith.constant 0 : i32
    %dma_start3A_7 = tpu.memref_slice %arg5[%dma_start3A_5, %dma_start3A_6] : memref<8192x768xf32, #tpu.memory_space<hbm>> -> memref<8192x768xf32, #tpu.memory_space<hbm>>
    tpu.enqueue_indirect_dma source(%dma_start3A_7 : memref<8192x768xf32, #tpu.memory_space<hbm>>) target(%arg12 : memref<16x768xf32, #tpu.memory_space<vmem>>) offsets(%arg10 : memref<16xi32, #tpu.memory_space<vmem>>) semaphore(%arg22 : memref<!tpu.dma_semaphore, #tpu.memory_space<semaphore_mem>>)
    %scan3A = arith.constant 0 : i32
    %scan3A_8 = arith.constant 0 : i32
    %scan3A_9 = arith.constant 16 : i32
    %scan3A_10 = arith.addi %scan3A_8, %scan3A_9 : i32
    %scan3A_11 = arith.constant 1 : i32
    %scan3A_12 = scf.for %scan3A_25 = %scan3A_8 to %scan3A_10 step %scan3A_11 iter_args(%scan3A_26 = %scan3A) -> (i32)  : i32 {
      %mul3A_27 = arith.constant 2 : i32
      %mul3A_28 = arith.muli %mul3A_27, %scan3A_25 : i32
      %mul3A_29 = arith.constant 16 : i32
      %mul3A_30 = arith.muli %mul3A_28, %mul3A_29 : i32
      %add3A_31 = arith.addi %mul3A_2, %mul3A_30 : i32
      %add3A_32 = arith.constant 16 : i32
      %add3A_33 = arith.addi %add3A_31, %add3A_32 : i32
      "tpu.region"() ({
        %run_scoped3A = tpu.sem_alloc : memref<!tpu.dma_semaphore, #tpu.memory_space<semaphore_mem>>
        %dma_start3A_86 = tpu.memref_slice %arg2[%add3A_33] : memref<16384xi32, #tpu.memory_space<hbm>> -> memref<16xi32, #tpu.memory_space<hbm>>
        %dma_start3A_87 = tpu.memref_slice %arg2[%add3A_33] : memref<16384xi32, #tpu.memory_space<hbm>> -> memref<16xi32, #tpu.memory_space<hbm>>
        tpu.enqueue_dma source(%dma_start3A_87 : memref<16xi32, #tpu.memory_space<hbm>>) target(%arg13 : memref<16xi32, #tpu.memory_space<vmem>>) target_semaphore(%run_scoped3A : memref<!tpu.dma_semaphore, #tpu.memory_space<semaphore_mem>>)
        %dma_wait3A_88 = tpu.memref_slice %arg2[%add3A_33] : memref<16384xi32, #tpu.memory_space<hbm>> -> memref<16xi32, #tpu.memory_space<hbm>>
        %dma_wait3A_89 = tpu.memref_slice %arg2[%add3A_33] : memref<16384xi32, #tpu.memory_space<hbm>> -> memref<16xi32, #tpu.memory_space<hbm>>
        tpu.wait_dma2 semaphore(%run_scoped3A : memref<!tpu.dma_semaphore, #tpu.memory_space<semaphore_mem>>) src(%dma_wait3A_89 : memref<16xi32, #tpu.memory_space<hbm>>) dst(%arg13 : memref<16xi32, #tpu.memory_space<vmem>>)
        tpu.yield
      }) : () -> ()
      "tpu.region"() ({
        %run_scoped3A = tpu.sem_alloc : memref<!tpu.dma_semaphore, #tpu.memory_space<semaphore_mem>>
        %dma_start3A_86 = tpu.memref_slice %arg3[%add3A_33] : memref<16384xi32, #tpu.memory_space<hbm>> -> memref<16xi32, #tpu.memory_space<hbm>>
        %dma_start3A_87 = tpu.memref_slice %arg3[%add3A_33] : memref<16384xi32, #tpu.memory_space<hbm>> -> memref<16xi32, #tpu.memory_space<hbm>>
        tpu.enqueue_dma source(%dma_start3A_87 : memref<16xi32, #tpu.memory_space<hbm>>) target(%arg14 : memref<16xi32, #tpu.memory_space<vmem>>) target_semaphore(%run_scoped3A : memref<!tpu.dma_semaphore, #tpu.memory_space<semaphore_mem>>)
        %dma_wait3A_88 = tpu.memref_slice %arg3[%add3A_33] : memref<16384xi32, #tpu.memory_space<hbm>> -> memref<16xi32, #tpu.memory_space<hbm>>
        %dma_wait3A_89 = tpu.memref_slice %arg3[%add3A_33] : memref<16384xi32, #tpu.memory_space<hbm>> -> memref<16xi32, #tpu.memory_space<hbm>>
        tpu.wait_dma2 semaphore(%run_scoped3A : memref<!tpu.dma_semaphore, #tpu.memory_space<semaphore_mem>>) src(%dma_wait3A_89 : memref<16xi32, #tpu.memory_space<hbm>>) dst(%arg14 : memref<16xi32, #tpu.memory_space<vmem>>)
        tpu.yield
      }) : () -> ()
      %dma_start3A_34 = arith.constant 0 : i32
      %dma_start3A_35 = arith.constant 0 : i32
      %dma_start3A_36 = tpu.memref_slice %arg4[%dma_start3A_34, %dma_start3A_35] : memref<128100x768xf32, #tpu.memory_space<hbm>> -> memref<128100x768xf32, #tpu.memory_space<hbm>>
      tpu.enqueue_indirect_dma source(%dma_start3A_36 : memref<128100x768xf32, #tpu.memory_space<hbm>>) target(%arg15 : memref<16x768xf32, #tpu.memory_space<vmem>>) offsets(%arg13 : memref<16xi32, #tpu.memory_space<vmem>>) semaphore(%arg23 : memref<!tpu.dma_semaphore, #tpu.memory_space<semaphore_mem>>)
      %dma_start3A_37 = arith.constant 0 : i32
      %dma_start3A_38 = arith.constant 0 : i32
      %dma_start3A_39 = tpu.memref_slice %arg5[%dma_start3A_37, %dma_start3A_38] : memref<8192x768xf32, #tpu.memory_space<hbm>> -> memref<8192x768xf32, #tpu.memory_space<hbm>>
      tpu.enqueue_indirect_dma source(%dma_start3A_39 : memref<8192x768xf32, #tpu.memory_space<hbm>>) target(%arg16 : memref<16x768xf32, #tpu.memory_space<vmem>>) offsets(%arg14 : memref<16xi32, #tpu.memory_space<vmem>>) semaphore(%arg24 : memref<!tpu.dma_semaphore, #tpu.memory_space<semaphore_mem>>)
      %gt3A = arith.constant 0 : i32
      %gt3A_40 = arith.cmpi sgt, %scan3A_25, %gt3A : i32
      %convert_element_type3A = arith.extui %gt3A_40 : i1 to i32
      %cond3A = arith.constant 0 : i32
      %cond3A_41 = arith.cmpi ne, %convert_element_type3A, %cond3A : i32
      scf.if %cond3A_41 {
        %sub3A = arith.constant 32 : i32
        %sub3A_86 = arith.subi %add3A_31, %sub3A : i32
        %dma_wait3A_87 = arith.constant 0 : i32
        %dma_wait3A_88 = tpu.memref_slice %arg8[%sub3A_86, %dma_wait3A_87] : memref<16384x768xf32, #tpu.memory_space<hbm>> -> memref<16x768xf32, #tpu.memory_space<hbm>>
        %dma_wait3A_89 = arith.constant 0 : i32
        %dma_wait3A_90 = tpu.memref_slice %arg8[%sub3A_86, %dma_wait3A_89] : memref<16384x768xf32, #tpu.memory_space<hbm>> -> memref<16x768xf32, #tpu.memory_space<hbm>>
        tpu.wait_dma2 semaphore(%arg25 : memref<!tpu.dma_semaphore, #tpu.memory_space<semaphore_mem>>) src(%arg17 : memref<16x768xf32, #tpu.memory_space<vmem>>) dst(%dma_wait3A_90 : memref<16x768xf32, #tpu.memory_space<hbm>>)
      } else {
      }
      %dma_wait3A_42 = arith.constant 0 : i32
      %dma_wait3A_43 = arith.constant 0 : i32
      %dma_wait3A_44 = tpu.memref_slice %arg4[%dma_wait3A_42, %dma_wait3A_43] : memref<128100x768xf32, #tpu.memory_space<hbm>> -> memref<128100x768xf32, #tpu.memory_space<hbm>>
      tpu.wait_indirect_dma semaphore(%arg21 : memref<!tpu.dma_semaphore, #tpu.memory_space<semaphore_mem>>) src(%dma_wait3A_44 : memref<128100x768xf32, #tpu.memory_space<hbm>>) dst(%arg11 : memref<16x768xf32, #tpu.memory_space<vmem>>)
      %dma_wait3A_45 = arith.constant 0 : i32
      %dma_wait3A_46 = arith.constant 0 : i32
      %dma_wait3A_47 = tpu.memref_slice %arg5[%dma_wait3A_45, %dma_wait3A_46] : memref<8192x768xf32, #tpu.memory_space<hbm>> -> memref<8192x768xf32, #tpu.memory_space<hbm>>
      tpu.wait_indirect_dma semaphore(%arg22 : memref<!tpu.dma_semaphore, #tpu.memory_space<semaphore_mem>>) src(%dma_wait3A_47 : memref<8192x768xf32, #tpu.memory_space<hbm>>) dst(%arg12 : memref<16x768xf32, #tpu.memory_space<vmem>>)
      %scan3A_48 = arith.constant 0 : i32
      %scan3A_49 = arith.constant 0 : i32
      %scan3A_50 = arith.constant 16 : i32
      %scan3A_51 = arith.addi %scan3A_49, %scan3A_50 : i32
      %scan3A_52 = arith.constant 1 : i32
      %scan3A_53 = scf.for %scan3A_86 = %scan3A_49 to %scan3A_51 step %scan3A_52 iter_args(%scan3A_87 = %scan3A_48) -> (i32)  : i32 {
        %broadcast_in_dim3A = arith.constant 0.000000e+00 : f32
        %broadcast_in_dim3A_88 = vector.broadcast %broadcast_in_dim3A : f32 to vector<16xf32>
        %parallel_loop3A = arith.constant 0 : i32
        %parallel_loop3A_89 = arith.constant 768 : i32
        %parallel_loop3A_90 = arith.constant 128 : i32
        %parallel_loop3A_91:8 = scf.for %parallel_loop3A_195 = %parallel_loop3A to %parallel_loop3A_89 step %parallel_loop3A_90 iter_args(%parallel_loop3A_196 = %broadcast_in_dim3A_88, %parallel_loop3A_197 = %broadcast_in_dim3A_88, %parallel_loop3A_198 = %broadcast_in_dim3A_88, %parallel_loop3A_199 = %broadcast_in_dim3A_88, %parallel_loop3A_200 = %broadcast_in_dim3A_88, %parallel_loop3A_201 = %broadcast_in_dim3A_88, %parallel_loop3A_202 = %broadcast_in_dim3A_88, %parallel_loop3A_203 = %broadcast_in_dim3A_88) -> (vector<16xf32>, vector<16xf32>, vector<16xf32>, vector<16xf32>, vector<16xf32>, vector<16xf32>, vector<16xf32>, vector<16xf32>)  : i32 {
          %parallel_loop3A_204 = arith.constant 0 : i32
          %parallel_loop3A_205 = arith.addi %parallel_loop3A_195, %parallel_loop3A_204 : i32
          %parallel_loop3A_206 = arith.index_cast %scan3A_86 : i32 to index
          %parallel_loop3A_207 = arith.index_cast %parallel_loop3A_205 : i32 to index
          %parallel_loop3A_208 = tpu.vector_load %arg11[%parallel_loop3A_206, %parallel_loop3A_207] {strides = array<i32>} : memref<16x768xf32, #tpu.memory_space<vmem>>, vector<1x16xf32>,
          %parallel_loop3A_209 = vector.shape_cast %parallel_loop3A_208 : vector<1x16xf32> to vector<16xf32>
          %parallel_loop3A_210 = arith.index_cast %scan3A_86 : i32 to index
          %parallel_loop3A_211 = arith.index_cast %parallel_loop3A_205 : i32 to index
          %parallel_loop3A_212 = tpu.vector_load %arg12[%parallel_loop3A_210, %parallel_loop3A_211] {strides = array<i32>} : memref<16x768xf32, #tpu.memory_space<vmem>>, vector<1x16xf32>,
          %parallel_loop3A_213 = vector.shape_cast %parallel_loop3A_212 : vector<1x16xf32> to vector<16xf32>
          %parallel_loop3A_214 = arith.addf %parallel_loop3A_209, %parallel_loop3A_213 : vector<16xf32>
          %parallel_loop3A_215 = arith.index_cast %scan3A_86 : i32 to index
          %parallel_loop3A_216 = arith.index_cast %parallel_loop3A_205 : i32 to index
          %parallel_loop3A_217 = tpu.vector_load %arg17[%parallel_loop3A_215, %parallel_loop3A_216] {strides = array<i32>} : memref<16x768xf32, #tpu.memory_space<vmem>>, vector<1x16xf32>,
          %parallel_loop3A_218 = vector.shape_cast %parallel_loop3A_217 : vector<1x16xf32> to vector<16xf32>
          %parallel_loop3A_219 = vector.shape_cast %parallel_loop3A_214 : vector<16xf32> to vector<1x16xf32>
          tpu.vector_store %arg17[%parallel_loop3A_215, %parallel_loop3A_216], %parallel_loop3A_219 {strides = array<i32>} : memref<16x768xf32, #tpu.memory_space<vmem>>, vector<1x16xf32>,
          %parallel_loop3A_220 = arith.addf %parallel_loop3A_196, %parallel_loop3A_214 : vector<16xf32>
          %parallel_loop3A_221 = arith.mulf %parallel_loop3A_214, %parallel_loop3A_214 : vector<16xf32>
          %parallel_loop3A_222 = arith.addf %parallel_loop3A_200, %parallel_loop3A_221 : vector<16xf32>
          %parallel_loop3A_223 = arith.constant 16 : i32
          %parallel_loop3A_224 = arith.addi %parallel_loop3A_195, %parallel_loop3A_223 : i32
          %parallel_loop3A_225 = arith.index_cast %scan3A_86 : i32 to index
          %parallel_loop3A_226 = arith.index_cast %parallel_loop3A_224 : i32 to index
          %parallel_loop3A_227 = tpu.vector_load %arg11[%parallel_loop3A_225, %parallel_loop3A_226] {strides = array<i32>} : memref<16x768xf32, #tpu.memory_space<vmem>>, vector<1x16xf32>,
          %parallel_loop3A_228 = vector.shape_cast %parallel_loop3A_227 : vector<1x16xf32> to vector<16xf32>
          %parallel_loop3A_229 = arith.index_cast %scan3A_86 : i32 to index
          %parallel_loop3A_230 = arith.index_cast %parallel_loop3A_224 : i32 to index
          %parallel_loop3A_231 = tpu.vector_load %arg12[%parallel_loop3A_229, %parallel_loop3A_230] {strides = array<i32>} : memref<16x768xf32, #tpu.memory_space<vmem>>, vector<1x16xf32>,
          %parallel_loop3A_232 = vector.shape_cast %parallel_loop3A_231 : vector<1x16xf32> to vector<16xf32>
          %parallel_loop3A_233 = arith.addf %parallel_loop3A_228, %parallel_loop3A_232 : vector<16xf32>
          %parallel_loop3A_234 = arith.index_cast %scan3A_86 : i32 to index
          %parallel_loop3A_235 = arith.index_cast %parallel_loop3A_224 : i32 to index
          %parallel_loop3A_236 = tpu.vector_load %arg17[%parallel_loop3A_234, %parallel_loop3A_235] {strides = array<i32>} : memref<16x768xf32, #tpu.memory_space<vmem>>, vector<1x16xf32>,
          %parallel_loop3A_237 = vector.shape_cast %parallel_loop3A_236 : vector<1x16xf32> to vector<16xf32>
          %parallel_loop3A_238 = vector.shape_cast %parallel_loop3A_233 : vector<16xf32> to vector<1x16xf32>
          tpu.vector_store %arg17[%parallel_loop3A_234, %parallel_loop3A_235], %parallel_loop3A_238 {strides = array<i32>} : memref<16x768xf32, #tpu.memory_space<vmem>>, vector<1x16xf32>,
          %parallel_loop3A_239 = arith.addf %parallel_loop3A_197, %parallel_loop3A_233 : vector<16xf32>
          %parallel_loop3A_240 = arith.mulf %parallel_loop3A_233, %parallel_loop3A_233 : vector<16xf32>
          %parallel_loop3A_241 = arith.addf %parallel_loop3A_201, %parallel_loop3A_240 : vector<16xf32>
          %parallel_loop3A_242 = arith.constant 32 : i32
          %parallel_loop3A_243 = arith.addi %parallel_loop3A_195, %parallel_loop3A_242 : i32
          %parallel_loop3A_244 = arith.index_cast %scan3A_86 : i32 to index
          %parallel_loop3A_245 = arith.index_cast %parallel_loop3A_243 : i32 to index
          %parallel_loop3A_246 = tpu.vector_load %arg11[%parallel_loop3A_244, %parallel_loop3A_245] {strides = array<i32>} : memref<16x768xf32, #tpu.memory_space<vmem>>, vector<1x16xf32>,
          %parallel_loop3A_247 = vector.shape_cast %parallel_loop3A_246 : vector<1x16xf32> to vector<16xf32>
          %parallel_loop3A_248 = arith.index_cast %scan3A_86 : i32 to index
          %parallel_loop3A_249 = arith.index_cast %parallel_loop3A_243 : i32 to index
          %parallel_loop3A_250 = tpu.vector_load %arg12[%parallel_loop3A_248, %parallel_loop3A_249] {strides = array<i32>} : memref<16x768xf32, #tpu.memory_space<vmem>>, vector<1x16xf32>,
          %parallel_loop3A_251 = vector.shape_cast %parallel_loop3A_250 : vector<1x16xf32> to vector<16xf32>
          %parallel_loop3A_252 = arith.addf %parallel_loop3A_247, %parallel_loop3A_251 : vector<16xf32>
          %parallel_loop3A_253 = arith.index_cast %scan3A_86 : i32 to index
          %parallel_loop3A_254 = arith.index_cast %parallel_loop3A_243 : i32 to index
          %parallel_loop3A_255 = tpu.vector_load %arg17[%parallel_loop3A_253, %parallel_loop3A_254] {strides = array<i32>} : memref<16x768xf32, #tpu.memory_space<vmem>>, vector<1x16xf32>,
          %parallel_loop3A_256 = vector.shape_cast %parallel_loop3A_255 : vector<1x16xf32> to vector<16xf32>
          %parallel_loop3A_257 = vector.shape_cast %parallel_loop3A_252 : vector<16xf32> to vector<1x16xf32>
          tpu.vector_store %arg17[%parallel_loop3A_253, %parallel_loop3A_254], %parallel_loop3A_257 {strides = array<i32>} : memref<16x768xf32, #tpu.memory_space<vmem>>, vector<1x16xf32>,
          %parallel_loop3A_258 = arith.addf %parallel_loop3A_198, %parallel_loop3A_252 : vector<16xf32>
          %parallel_loop3A_259 = arith.mulf %parallel_loop3A_252, %parallel_loop3A_252 : vector<16xf32>
          %parallel_loop3A_260 = arith.addf %parallel_loop3A_202, %parallel_loop3A_259 : vector<16xf32>
          %parallel_loop3A_261 = arith.constant 48 : i32
          %parallel_loop3A_262 = arith.addi %parallel_loop3A_195, %parallel_loop3A_261 : i32
          %parallel_loop3A_263 = arith.index_cast %scan3A_86 : i32 to index
          %parallel_loop3A_264 = arith.index_cast %parallel_loop3A_262 : i32 to index
          %parallel_loop3A_265 = tpu.vector_load %arg11[%parallel_loop3A_263, %parallel_loop3A_264] {strides = array<i32>} : memref<16x768xf32, #tpu.memory_space<vmem>>, vector<1x16xf32>,
          %parallel_loop3A_266 = vector.shape_cast %parallel_loop3A_265 : vector<1x16xf32> to vector<16xf32>
          %parallel_loop3A_267 = arith.index_cast %scan3A_86 : i32 to index
          %parallel_loop3A_268 = arith.index_cast %parallel_loop3A_262 : i32 to index
          %parallel_loop3A_269 = tpu.vector_load %arg12[%parallel_loop3A_267, %parallel_loop3A_268] {strides = array<i32>} : memref<16x768xf32, #tpu.memory_space<vmem>>, vector<1x16xf32>,
          %parallel_loop3A_270 = vector.shape_cast %parallel_loop3A_269 : vector<1x16xf32> to vector<16xf32>
          %parallel_loop3A_271 = arith.addf %parallel_loop3A_266, %parallel_loop3A_270 : vector<16xf32>
          %parallel_loop3A_272 = arith.index_cast %scan3A_86 : i32 to index
          %parallel_loop3A_273 = arith.index_cast %parallel_loop3A_262 : i32 to index
          %parallel_loop3A_274 = tpu.vector_load %arg17[%parallel_loop3A_272, %parallel_loop3A_273] {strides = array<i32>} : memref<16x768xf32, #tpu.memory_space<vmem>>, vector<1x16xf32>,
          %parallel_loop3A_275 = vector.shape_cast %parallel_loop3A_274 : vector<1x16xf32> to vector<16xf32>
          %parallel_loop3A_276 = vector.shape_cast %parallel_loop3A_271 : vector<16xf32> to vector<1x16xf32>
          tpu.vector_store %arg17[%parallel_loop3A_272, %parallel_loop3A_273], %parallel_loop3A_276 {strides = array<i32>} : memref<16x768xf32, #tpu.memory_space<vmem>>, vector<1x16xf32>,
          %parallel_loop3A_277 = arith.addf %parallel_loop3A_199, %parallel_loop3A_271 : vector<16xf32>
          %parallel_loop3A_278 = arith.mulf %parallel_loop3A_271, %parallel_loop3A_271 : vector<16xf32>
          %parallel_loop3A_279 = arith.addf %parallel_loop3A_203, %parallel_loop3A_278 : vector<16xf32>
          %parallel_loop3A_280 = arith.constant 64 : i32
          %parallel_loop3A_281 = arith.addi %parallel_loop3A_195, %parallel_loop3A_280 : i32
          %parallel_loop3A_282 = arith.index_cast %scan3A_86 : i32 to index
          %parallel_loop3A_283 = arith.index_cast %parallel_loop3A_281 : i32 to index
          %parallel_loop3A_284 = tpu.vector_load %arg11[%parallel_loop3A_282, %parallel_loop3A_283] {strides = array<i32>} : memref<16x768xf32, #tpu.memory_space<vmem>>, vector<1x16xf32>,
          %parallel_loop3A_285 = vector.shape_cast %parallel_loop3A_284 : vector<1x16xf32> to vector<16xf32>
          %parallel_loop3A_286 = arith.index_cast %scan3A_86 : i32 to index
          %parallel_loop3A_287 = arith.index_cast %parallel_loop3A_281 : i32 to index
          %parallel_loop3A_288 = tpu.vector_load %arg12[%parallel_loop3A_286, %parallel_loop3A_287] {strides = array<i32>} : memref<16x768xf32, #tpu.memory_space<vmem>>, vector<1x16xf32>,
          %parallel_loop3A_289 = vector.shape_cast %parallel_loop3A_288 : vector<1x16xf32> to vector<16xf32>
          %parallel_loop3A_290 = arith.addf %parallel_loop3A_285, %parallel_loop3A_289 : vector<16xf32>
          %parallel_loop3A_291 = arith.index_cast %scan3A_86 : i32 to index
          %parallel_loop3A_292 = arith.index_cast %parallel_loop3A_281 : i32 to index
          %parallel_loop3A_293 = tpu.vector_load %arg17[%parallel_loop3A_291, %parallel_loop3A_292] {strides = array<i32>} : memref<16x768xf32, #tpu.memory_space<vmem>>, vector<1x16xf32>,
          %parallel_loop3A_294 = vector.shape_cast %parallel_loop3A_293 : vector<1x16xf32> to vector<16xf32>
          %parallel_loop3A_295 = vector.shape_cast %parallel_loop3A_290 : vector<16xf32> to vector<1x16xf32>
          tpu.vector_store %arg17[%parallel_loop3A_291, %parallel_loop3A_292], %parallel_loop3A_295 {strides = array<i32>} : memref<16x768xf32, #tpu.memory_space<vmem>>, vector<1x16xf32>,
          %parallel_loop3A_296 = arith.addf %parallel_loop3A_220, %parallel_loop3A_290 : vector<16xf32>
          %parallel_loop3A_297 = arith.mulf %parallel_loop3A_290, %parallel_loop3A_290 : vector<16xf32>
          %parallel_loop3A_298 = arith.addf %parallel_loop3A_222, %parallel_loop3A_297 : vector<16xf32>
          %parallel_loop3A_299 = arith.constant 80 : i32
          %parallel_loop3A_300 = arith.addi %parallel_loop3A_195, %parallel_loop3A_299 : i32
          %parallel_loop3A_301 = arith.index_cast %scan3A_86 : i32 to index
          %parallel_loop3A_302 = arith.index_cast %parallel_loop3A_300 : i32 to index
          %parallel_loop3A_303 = tpu.vector_load %arg11[%parallel_loop3A_301, %parallel_loop3A_302] {strides = array<i32>} : memref<16x768xf32, #tpu.memory_space<vmem>>, vector<1x16xf32>,
          %parallel_loop3A_304 = vector.shape_cast %parallel_loop3A_303 : vector<1x16xf32> to vector<16xf32>
          %parallel_loop3A_305 = arith.index_cast %scan3A_86 : i32 to index
          %parallel_loop3A_306 = arith.index_cast %parallel_loop3A_300 : i32 to index
          %parallel_loop3A_307 = tpu.vector_load %arg12[%parallel_loop3A_305, %parallel_loop3A_306] {strides = array<i32>} : memref<16x768xf32, #tpu.memory_space<vmem>>, vector<1x16xf32>,
          %parallel_loop3A_308 = vector.shape_cast %parallel_loop3A_307 : vector<1x16xf32> to vector<16xf32>
          %parallel_loop3A_309 = arith.addf %parallel_loop3A_304, %parallel_loop3A_308 : vector<16xf32>
          %parallel_loop3A_310 = arith.index_cast %scan3A_86 : i32 to index
          %parallel_loop3A_311 = arith.index_cast %parallel_loop3A_300 : i32 to index
          %parallel_loop3A_312 = tpu.vector_load %arg17[%parallel_loop3A_310, %parallel_loop3A_311] {strides = array<i32>} : memref<16x768xf32, #tpu.memory_space<vmem>>, vector<1x16xf32>,
          %parallel_loop3A_313 = vector.shape_cast %parallel_loop3A_312 : vector<1x16xf32> to vector<16xf32>
          %parallel_loop3A_314 = vector.shape_cast %parallel_loop3A_309 : vector<16xf32> to vector<1x16xf32>
          tpu.vector_store %arg17[%parallel_loop3A_310, %parallel_loop3A_311], %parallel_loop3A_314 {strides = array<i32>} : memref<16x768xf32, #tpu.memory_space<vmem>>, vector<1x16xf32>,
          %parallel_loop3A_315 = arith.addf %parallel_loop3A_239, %parallel_loop3A_309 : vector<16xf32>
          %parallel_loop3A_316 = arith.mulf %parallel_loop3A_309, %parallel_loop3A_309 : vector<16xf32>
          %parallel_loop3A_317 = arith.addf %parallel_loop3A_241, %parallel_loop3A_316 : vector<16xf32>
          %parallel_loop3A_318 = arith.constant 96 : i32
          %parallel_loop3A_319 = arith.addi %parallel_loop3A_195, %parallel_loop3A_318 : i32
          %parallel_loop3A_320 = arith.index_cast %scan3A_86 : i32 to index
          %parallel_loop3A_321 = arith.index_cast %parallel_loop3A_319 : i32 to index
          %parallel_loop3A_322 = tpu.vector_load %arg11[%parallel_loop3A_320, %parallel_loop3A_321] {strides = array<i32>} : memref<16x768xf32, #tpu.memory_space<vmem>>, vector<1x16xf32>,
          %parallel_loop3A_323 = vector.shape_cast %parallel_loop3A_322 : vector<1x16xf32> to vector<16xf32>
          %parallel_loop3A_324 = arith.index_cast %scan3A_86 : i32 to index
          %parallel_loop3A_325 = arith.index_cast %parallel_loop3A_319 : i32 to index
          %parallel_loop3A_326 = tpu.vector_load %arg12[%parallel_loop3A_324, %parallel_loop3A_325] {strides = array<i32>} : memref<16x768xf32, #tpu.memory_space<vmem>>, vector<1x16xf32>,
          %parallel_loop3A_327 = vector.shape_cast %parallel_loop3A_326 : vector<1x16xf32> to vector<16xf32>
          %parallel_loop3A_328 = arith.addf %parallel_loop3A_323, %parallel_loop3A_327 : vector<16xf32>
          %parallel_loop3A_329 = arith.index_cast %scan3A_86 : i32 to index
          %parallel_loop3A_330 = arith.index_cast %parallel_loop3A_319 : i32 to index
          %parallel_loop3A_331 = tpu.vector_load %arg17[%parallel_loop3A_329, %parallel_loop3A_330] {strides = array<i32>} : memref<16x768xf32, #tpu.memory_space<vmem>>, vector<1x16xf32>,
          %parallel_loop3A_332 = vector.shape_cast %parallel_loop3A_331 : vector<1x16xf32> to vector<16xf32>
          %parallel_loop3A_333 = vector.shape_cast %parallel_loop3A_328 : vector<16xf32> to vector<1x16xf32>
          tpu.vector_store %arg17[%parallel_loop3A_329, %parallel_loop3A_330], %parallel_loop3A_333 {strides = array<i32>} : memref<16x768xf32, #tpu.memory_space<vmem>>, vector<1x16xf32>,
          %parallel_loop3A_334 = arith.addf %parallel_loop3A_258, %parallel_loop3A_328 : vector<16xf32>
          %parallel_loop3A_335 = arith.mulf %parallel_loop3A_328, %parallel_loop3A_328 : vector<16xf32>
          %parallel_loop3A_336 = arith.addf %parallel_loop3A_260, %parallel_loop3A_335 : vector<16xf32>
          %parallel_loop3A_337 = arith.constant 112 : i32
          %parallel_loop3A_338 = arith.addi %parallel_loop3A_195, %parallel_loop3A_337 : i32
          %parallel_loop3A_339 = arith.index_cast %scan3A_86 : i32 to index
          %parallel_loop3A_340 = arith.index_cast %parallel_loop3A_338 : i32 to index
          %parallel_loop3A_341 = tpu.vector_load %arg11[%parallel_loop3A_339, %parallel_loop3A_340] {strides = array<i32>} : memref<16x768xf32, #tpu.memory_space<vmem>>, vector<1x16xf32>,
          %parallel_loop3A_342 = vector.shape_cast %parallel_loop3A_341 : vector<1x16xf32> to vector<16xf32>
          %parallel_loop3A_343 = arith.index_cast %scan3A_86 : i32 to index
          %parallel_loop3A_344 = arith.index_cast %parallel_loop3A_338 : i32 to index
          %parallel_loop3A_345 = tpu.vector_load %arg12[%parallel_loop3A_343, %parallel_loop3A_344] {strides = array<i32>} : memref<16x768xf32, #tpu.memory_space<vmem>>, vector<1x16xf32>,
          %parallel_loop3A_346 = vector.shape_cast %parallel_loop3A_345 : vector<1x16xf32> to vector<16xf32>
          %parallel_loop3A_347 = arith.addf %parallel_loop3A_342, %parallel_loop3A_346 : vector<16xf32>
          %parallel_loop3A_348 = arith.index_cast %scan3A_86 : i32 to index
          %parallel_loop3A_349 = arith.index_cast %parallel_loop3A_338 : i32 to index
          %parallel_loop3A_350 = tpu.vector_load %arg17[%parallel_loop3A_348, %parallel_loop3A_349] {strides = array<i32>} : memref<16x768xf32, #tpu.memory_space<vmem>>, vector<1x16xf32>,
          %parallel_loop3A_351 = vector.shape_cast %parallel_loop3A_350 : vector<1x16xf32> to vector<16xf32>
          %parallel_loop3A_352 = vector.shape_cast %parallel_loop3A_347 : vector<16xf32> to vector<1x16xf32>
          tpu.vector_store %arg17[%parallel_loop3A_348, %parallel_loop3A_349], %parallel_loop3A_352 {strides = array<i32>} : memref<16x768xf32, #tpu.memory_space<vmem>>, vector<1x16xf32>,
          %parallel_loop3A_353 = arith.addf %parallel_loop3A_277, %parallel_loop3A_347 : vector<16xf32>
          %parallel_loop3A_354 = arith.mulf %parallel_loop3A_347, %parallel_loop3A_347 : vector<16xf32>
          %parallel_loop3A_355 = arith.addf %parallel_loop3A_279, %parallel_loop3A_354 : vector<16xf32>
          scf.yield %parallel_loop3A_296, %parallel_loop3A_315, %parallel_loop3A_334, %parallel_loop3A_353, %parallel_loop3A_298, %parallel_loop3A_317, %parallel_loop3A_336, %parallel_loop3A_355 : vector<16xf32>, vector<16xf32>, vector<16xf32>, vector<16xf32>, vector<16xf32>, vector<16xf32>, vector<16xf32>, vector<16xf32>
        } {sc.loop_unroll_factor = 2 : i64, sc.parallel_access}
        %add3A_92 = arith.addf %parallel_loop3A_91#0, %parallel_loop3A_91#1 : vector<16xf32>
        %add3A_93 = arith.addf %parallel_loop3A_91#2, %parallel_loop3A_91#3 : vector<16xf32>
        %add3A_94 = arith.addf %add3A_92, %add3A_93 : vector<16xf32>
        %add3A_95 = arith.addf %parallel_loop3A_91#4, %parallel_loop3A_91#5 : vector<16xf32>
        %add3A_96 = arith.addf %parallel_loop3A_91#6, %parallel_loop3A_91#7 : vector<16xf32>
        %add3A_97 = arith.addf %add3A_95, %add3A_96 : vector<16xf32>
        %iota3A = tpu.iota {dimensions = array<i32: 0>} : vector<16xi32>
        %xor3A = arith.constant 8 : i32
        %xor3A_98 = vector.broadcast %xor3A : i32 to vector<16xi32>
        %xor3A_99 = arith.xori %iota3A, %xor3A_98 : vector<16xi32>
        %broadcast_in_dim3A_100 = vector.shape_cast %xor3A_99 : vector<16xi32> to vector<16x1xi32>
        %gather3A = vector.shape_cast %broadcast_in_dim3A_100 : vector<16x1xi32> to vector<16xi32>
        %gather3A_101 = tpu.dynamic_gather %add3A_94[%gather3A] in [0] : vector<16xf32>, vector<16xi32> -> vector<16xf32>
        %add3A_102 = arith.addf %add3A_94, %gather3A_101 : vector<16xf32>
        %xor3A_103 = arith.constant 4 : i32
        %xor3A_104 = vector.broadcast %xor3A_103 : i32 to vector<16xi32>
        %xor3A_105 = arith.xori %iota3A, %xor3A_104 : vector<16xi32>
        %broadcast_in_dim3A_106 = vector.shape_cast %xor3A_105 : vector<16xi32> to vector<16x1xi32>
        %gather3A_107 = vector.shape_cast %broadcast_in_dim3A_106 : vector<16x1xi32> to vector<16xi32>
        %gather3A_108 = tpu.dynamic_gather %add3A_102[%gather3A_107] in [0] : vector<16xf32>, vector<16xi32> -> vector<16xf32>
        %add3A_109 = arith.addf %add3A_102, %gather3A_108 : vector<16xf32>
        %xor3A_110 = arith.constant 2 : i32
        %xor3A_111 = vector.broadcast %xor3A_110 : i32 to vector<16xi32>
        %xor3A_112 = arith.xori %iota3A, %xor3A_111 : vector<16xi32>
        %broadcast_in_dim3A_113 = vector.shape_cast %xor3A_112 : vector<16xi32> to vector<16x1xi32>
        %gather3A_114 = vector.shape_cast %broadcast_in_dim3A_113 : vector<16x1xi32> to vector<16xi32>
        %gather3A_115 = tpu.dynamic_gather %add3A_109[%gather3A_114] in [0] : vector<16xf32>, vector<16xi32> -> vector<16xf32>
        %add3A_116 = arith.addf %add3A_109, %gather3A_115 : vector<16xf32>
        %xor3A_117 = arith.constant 1 : i32
        %xor3A_118 = vector.broadcast %xor3A_117 : i32 to vector<16xi32>
        %xor3A_119 = arith.xori %iota3A, %xor3A_118 : vector<16xi32>
        %broadcast_in_dim3A_120 = vector.shape_cast %xor3A_119 : vector<16xi32> to vector<16x1xi32>
        %gather3A_121 = vector.shape_cast %broadcast_in_dim3A_120 : vector<16x1xi32> to vector<16xi32>
        %gather3A_122 = tpu.dynamic_gather %add3A_116[%gather3A_121] in [0] : vector<16xf32>, vector<16xi32> -> vector<16xf32>
        %add3A_123 = arith.addf %add3A_116, %gather3A_122 : vector<16xf32>
        %mul3A_124 = arith.constant 0.00130208337 : f32
        %mul3A_125 = vector.broadcast %mul3A_124 : f32 to vector<16xf32>
        %mul3A_126 = arith.mulf %add3A_123, %mul3A_125 : vector<16xf32>
        %iota3A_127 = tpu.iota {dimensions = array<i32: 0>} : vector<16xi32>
        %xor3A_128 = arith.constant 8 : i32
        %xor3A_129 = vector.broadcast %xor3A_128 : i32 to vector<16xi32>
        %xor3A_130 = arith.xori %iota3A_127, %xor3A_129 : vector<16xi32>
        %broadcast_in_dim3A_131 = vector.shape_cast %xor3A_130 : vector<16xi32> to vector<16x1xi32>
        %gather3A_132 = vector.shape_cast %broadcast_in_dim3A_131 : vector<16x1xi32> to vector<16xi32>
        %gather3A_133 = tpu.dynamic_gather %add3A_97[%gather3A_132] in [0] : vector<16xf32>, vector<16xi32> -> vector<16xf32>
        %add3A_134 = arith.addf %add3A_97, %gather3A_133 : vector<16xf32>
        %xor3A_135 = arith.constant 4 : i32
        %xor3A_136 = vector.broadcast %xor3A_135 : i32 to vector<16xi32>
        %xor3A_137 = arith.xori %iota3A_127, %xor3A_136 : vector<16xi32>
        %broadcast_in_dim3A_138 = vector.shape_cast %xor3A_137 : vector<16xi32> to vector<16x1xi32>
        %gather3A_139 = vector.shape_cast %broadcast_in_dim3A_138 : vector<16x1xi32> to vector<16xi32>
        %gather3A_140 = tpu.dynamic_gather %add3A_134[%gather3A_139] in [0] : vector<16xf32>, vector<16xi32> -> vector<16xf32>
        %add3A_141 = arith.addf %add3A_134, %gather3A_140 : vector<16xf32>
        %xor3A_142 = arith.constant 2 : i32
        %xor3A_143 = vector.broadcast %xor3A_142 : i32 to vector<16xi32>
        %xor3A_144 = arith.xori %iota3A_127, %xor3A_143 : vector<16xi32>
        %broadcast_in_dim3A_145 = vector.shape_cast %xor3A_144 : vector<16xi32> to vector<16x1xi32>
        %gather3A_146 = vector.shape_cast %broadcast_in_dim3A_145 : vector<16x1xi32> to vector<16xi32>
        %gather3A_147 = tpu.dynamic_gather %add3A_141[%gather3A_146] in [0] : vector<16xf32>, vector<16xi32> -> vector<16xf32>
        %add3A_148 = arith.addf %add3A_141, %gather3A_147 : vector<16xf32>
        %xor3A_149 = arith.constant 1 : i32
        %xor3A_150 = vector.broadcast %xor3A_149 : i32 to vector<16xi32>
        %xor3A_151 = arith.xori %iota3A_127, %xor3A_150 : vector<16xi32>
        %broadcast_in_dim3A_152 = vector.shape_cast %xor3A_151 : vector<16xi32> to vector<16x1xi32>
        %gather3A_153 = vector.shape_cast %broadcast_in_dim3A_152 : vector<16x1xi32> to vector<16xi32>
        %gather3A_154 = tpu.dynamic_gather %add3A_148[%gather3A_153] in [0] : vector<16xf32>, vector<16xi32> -> vector<16xf32>
        %add3A_155 = arith.addf %add3A_148, %gather3A_154 : vector<16xf32>
        %mul3A_156 = arith.constant 0.00130208337 : f32
        %mul3A_157 = vector.broadcast %mul3A_156 : f32 to vector<16xf32>
        %mul3A_158 = arith.mulf %add3A_155, %mul3A_157 : vector<16xf32>
        %mul3A_159 = arith.mulf %mul3A_126, %mul3A_126 : vector<16xf32>
        %sub3A = arith.subf %mul3A_158, %mul3A_159 : vector<16xf32>
        %add3A_160 = arith.constant 1.000000e-07 : f32
        %add3A_161 = vector.broadcast %add3A_160 : f32 to vector<16xf32>
        %add3A_162 = arith.addf %sub3A, %add3A_161 : vector<16xf32>
        %bitcast_convert_type3A = tpu.bitcast %add3A_162 : vector<16xf32> -> vector<16xi32>
        %broadcast_in_dim3A_163 = arith.constant 1597463007 : i32
        %broadcast_in_dim3A_164 = vector.broadcast %broadcast_in_dim3A_163 : i32 to vector<16xi32>
        %shift_right_arithmetic3A = arith.constant 1 : i32
        %shift_right_arithmetic3A_165 = vector.broadcast %shift_right_arithmetic3A : i32 to vector<16xi32>
        %shift_right_arithmetic3A_166 = arith.shrsi %bitcast_convert_type3A, %shift_right_arithmetic3A_165 : vector<16xi32>
        %sub3A_167 = arith.subi %broadcast_in_dim3A_164, %shift_right_arithmetic3A_166 : vector<16xi32>
        %bitcast_convert_type3A_168 = tpu.bitcast %sub3A_167 : vector<16xi32> -> vector<16xf32>
        %mul3A_169 = arith.constant 5.000000e-01 : f32
        %mul3A_170 = vector.broadcast %mul3A_169 : f32 to vector<16xf32>
        %mul3A_171 = arith.mulf %add3A_162, %mul3A_170 : vector<16xf32>
        %mul3A_172 = arith.mulf %mul3A_171, %bitcast_convert_type3A_168 : vector<16xf32>
        %mul3A_173 = arith.mulf %mul3A_172, %bitcast_convert_type3A_168 : vector<16xf32>
        %sub3A_174 = arith.constant 1.500000e+00 : f32
        %sub3A_175 = vector.broadcast %sub3A_174 : f32 to vector<16xf32>
        %sub3A_176 = arith.subf %sub3A_175, %mul3A_173 : vector<16xf32>
        %mul3A_177 = arith.mulf %bitcast_convert_type3A_168, %sub3A_176 : vector<16xf32>
        %mul3A_178 = arith.mulf %mul3A_171, %mul3A_177 : vector<16xf32>
        %mul3A_179 = arith.mulf %mul3A_178, %mul3A_177 : vector<16xf32>
        %sub3A_180 = arith.constant 1.500000e+00 : f32
        %sub3A_181 = vector.broadcast %sub3A_180 : f32 to vector<16xf32>
        %sub3A_182 = arith.subf %sub3A_181, %mul3A_179 : vector<16xf32>
        %mul3A_183 = arith.mulf %mul3A_177, %sub3A_182 : vector<16xf32>
        %mul3A_184 = arith.mulf %mul3A_171, %mul3A_183 : vector<16xf32>
        %mul3A_185 = arith.mulf %mul3A_184, %mul3A_183 : vector<16xf32>
        %sub3A_186 = arith.constant 1.500000e+00 : f32
        %sub3A_187 = vector.broadcast %sub3A_186 : f32 to vector<16xf32>
        %sub3A_188 = arith.subf %sub3A_187, %mul3A_185 : vector<16xf32>
        %mul3A_189 = arith.mulf %mul3A_183, %sub3A_188 : vector<16xf32>
        %mul3A_190 = arith.mulf %mul3A_126, %mul3A_189 : vector<16xf32>
        %parallel_loop3A_191 = arith.constant 0 : i32
        %parallel_loop3A_192 = arith.constant 768 : i32
        %parallel_loop3A_193 = arith.constant 128 : i32
        scf.for %parallel_loop3A_195 = %parallel_loop3A_191 to %parallel_loop3A_192 step %parallel_loop3A_193  : i32 {
          %parallel_loop3A_196 = arith.constant 0 : i32
          %parallel_loop3A_197 = arith.addi %parallel_loop3A_195, %parallel_loop3A_196 : i32
          %parallel_loop3A_198 = arith.index_cast %scan3A_86 : i32 to index
          %parallel_loop3A_199 = arith.index_cast %parallel_loop3A_197 : i32 to index
          %parallel_loop3A_200 = tpu.vector_load %arg17[%parallel_loop3A_198, %parallel_loop3A_199] {strides = array<i32>} : memref<16x768xf32, #tpu.memory_space<vmem>>, vector<1x16xf32>,
          %parallel_loop3A_201 = vector.shape_cast %parallel_loop3A_200 : vector<1x16xf32> to vector<16xf32>
          %parallel_loop3A_202 = arith.mulf %parallel_loop3A_201, %mul3A_189 : vector<16xf32>
          %parallel_loop3A_203 = arith.subf %parallel_loop3A_202, %mul3A_190 : vector<16xf32>
          %parallel_loop3A_204 = arith.index_cast %parallel_loop3A_197 : i32 to index
          %parallel_loop3A_205 = tpu.vector_load %arg19[%parallel_loop3A_204] {strides = array<i32>} : memref<768xf32, #tpu.memory_space<vmem>>, vector<16xf32>,
          %parallel_loop3A_206 = vector.shape_cast %parallel_loop3A_205 : vector<16xf32> to vector<16xf32>
          %parallel_loop3A_207 = arith.mulf %parallel_loop3A_203, %parallel_loop3A_206 : vector<16xf32>
          %parallel_loop3A_208 = arith.index_cast %parallel_loop3A_197 : i32 to index
          %parallel_loop3A_209 = tpu.vector_load %arg20[%parallel_loop3A_208] {strides = array<i32>} : memref<768xf32, #tpu.memory_space<vmem>>, vector<16xf32>,
          %parallel_loop3A_210 = vector.shape_cast %parallel_loop3A_209 : vector<16xf32> to vector<16xf32>
          %parallel_loop3A_211 = arith.addf %parallel_loop3A_207, %parallel_loop3A_210 : vector<16xf32>
          %parallel_loop3A_212 = arith.index_cast %scan3A_86 : i32 to index
          %parallel_loop3A_213 = arith.index_cast %parallel_loop3A_197 : i32 to index
          %parallel_loop3A_214 = tpu.vector_load %arg17[%parallel_loop3A_212, %parallel_loop3A_213] {strides = array<i32>} : memref<16x768xf32, #tpu.memory_space<vmem>>, vector<1x16xf32>,
          %parallel_loop3A_215 = vector.shape_cast %parallel_loop3A_214 : vector<1x16xf32> to vector<16xf32>
          %parallel_loop3A_216 = vector.shape_cast %parallel_loop3A_211 : vector<16xf32> to vector<1x16xf32>
          tpu.vector_store %arg17[%parallel_loop3A_212, %parallel_loop3A_213], %parallel_loop3A_216 {strides = array<i32>} : memref<16x768xf32, #tpu.memory_space<vmem>>, vector<1x16xf32>,
          %parallel_loop3A_217 = arith.constant 16 : i32
          %parallel_loop3A_218 = arith.addi %parallel_loop3A_195, %parallel_loop3A_217 : i32
          %parallel_loop3A_219 = arith.index_cast %scan3A_86 : i32 to index
          %parallel_loop3A_220 = arith.index_cast %parallel_loop3A_218 : i32 to index
          %parallel_loop3A_221 = tpu.vector_load %arg17[%parallel_loop3A_219, %parallel_loop3A_220] {strides = array<i32>} : memref<16x768xf32, #tpu.memory_space<vmem>>, vector<1x16xf32>,
          %parallel_loop3A_222 = vector.shape_cast %parallel_loop3A_221 : vector<1x16xf32> to vector<16xf32>
          %parallel_loop3A_223 = arith.mulf %parallel_loop3A_222, %mul3A_189 : vector<16xf32>
          %parallel_loop3A_224 = arith.subf %parallel_loop3A_223, %mul3A_190 : vector<16xf32>
          %parallel_loop3A_225 = arith.index_cast %parallel_loop3A_218 : i32 to index
          %parallel_loop3A_226 = tpu.vector_load %arg19[%parallel_loop3A_225] {strides = array<i32>} : memref<768xf32, #tpu.memory_space<vmem>>, vector<16xf32>,
          %parallel_loop3A_227 = vector.shape_cast %parallel_loop3A_226 : vector<16xf32> to vector<16xf32>
          %parallel_loop3A_228 = arith.mulf %parallel_loop3A_224, %parallel_loop3A_227 : vector<16xf32>
          %parallel_loop3A_229 = arith.index_cast %parallel_loop3A_218 : i32 to index
          %parallel_loop3A_230 = tpu.vector_load %arg20[%parallel_loop3A_229] {strides = array<i32>} : memref<768xf32, #tpu.memory_space<vmem>>, vector<16xf32>,
          %parallel_loop3A_231 = vector.shape_cast %parallel_loop3A_230 : vector<16xf32> to vector<16xf32>
          %parallel_loop3A_232 = arith.addf %parallel_loop3A_228, %parallel_loop3A_231 : vector<16xf32>
          %parallel_loop3A_233 = arith.index_cast %scan3A_86 : i32 to index
          %parallel_loop3A_234 = arith.index_cast %parallel_loop3A_218 : i32 to index
          %parallel_loop3A_235 = tpu.vector_load %arg17[%parallel_loop3A_233, %parallel_loop3A_234] {strides = array<i32>} : memref<16x768xf32, #tpu.memory_space<vmem>>, vector<1x16xf32>,
          %parallel_loop3A_236 = vector.shape_cast %parallel_loop3A_235 : vector<1x16xf32> to vector<16xf32>
          %parallel_loop3A_237 = vector.shape_cast %parallel_loop3A_232 : vector<16xf32> to vector<1x16xf32>
          tpu.vector_store %arg17[%parallel_loop3A_233, %parallel_loop3A_234], %parallel_loop3A_237 {strides = array<i32>} : memref<16x768xf32, #tpu.memory_space<vmem>>, vector<1x16xf32>,
          %parallel_loop3A_238 = arith.constant 32 : i32
          %parallel_loop3A_239 = arith.addi %parallel_loop3A_195, %parallel_loop3A_238 : i32
          %parallel_loop3A_240 = arith.index_cast %scan3A_86 : i32 to index
          %parallel_loop3A_241 = arith.index_cast %parallel_loop3A_239 : i32 to index
          %parallel_loop3A_242 = tpu.vector_load %arg17[%parallel_loop3A_240, %parallel_loop3A_241] {strides = array<i32>} : memref<16x768xf32, #tpu.memory_space<vmem>>, vector<1x16xf32>,
          %parallel_loop3A_243 = vector.shape_cast %parallel_loop3A_242 : vector<1x16xf32> to vector<16xf32>
          %parallel_loop3A_244 = arith.mulf %parallel_loop3A_243, %mul3A_189 : vector<16xf32>
          %parallel_loop3A_245 = arith.subf %parallel_loop3A_244, %mul3A_190 : vector<16xf32>
          %parallel_loop3A_246 = arith.index_cast %parallel_loop3A_239 : i32 to index
          %parallel_loop3A_247 = tpu.vector_load %arg19[%parallel_loop3A_246] {strides = array<i32>} : memref<768xf32, #tpu.memory_space<vmem>>, vector<16xf32>,
          %parallel_loop3A_248 = vector.shape_cast %parallel_loop3A_247 : vector<16xf32> to vector<16xf32>
          %parallel_loop3A_249 = arith.mulf %parallel_loop3A_245, %parallel_loop3A_248 : vector<16xf32>
          %parallel_loop3A_250 = arith.index_cast %parallel_loop3A_239 : i32 to index
          %parallel_loop3A_251 = tpu.vector_load %arg20[%parallel_loop3A_250] {strides = array<i32>} : memref<768xf32, #tpu.memory_space<vmem>>, vector<16xf32>,
          %parallel_loop3A_252 = vector.shape_cast %parallel_loop3A_251 : vector<16xf32> to vector<16xf32>
          %parallel_loop3A_253 = arith.addf %parallel_loop3A_249, %parallel_loop3A_252 : vector<16xf32>
          %parallel_loop3A_254 = arith.index_cast %scan3A_86 : i32 to index
          %parallel_loop3A_255 = arith.index_cast %parallel_loop3A_239 : i32 to index
          %parallel_loop3A_256 = tpu.vector_load %arg17[%parallel_loop3A_254, %parallel_loop3A_255] {strides = array<i32>} : memref<16x768xf32, #tpu.memory_space<vmem>>, vector<1x16xf32>,
          %parallel_loop3A_257 = vector.shape_cast %parallel_loop3A_256 : vector<1x16xf32> to vector<16xf32>
          %parallel_loop3A_258 = vector.shape_cast %parallel_loop3A_253 : vector<16xf32> to vector<1x16xf32>
          tpu.vector_store %arg17[%parallel_loop3A_254, %parallel_loop3A_255], %parallel_loop3A_258 {strides = array<i32>} : memref<16x768xf32, #tpu.memory_space<vmem>>, vector<1x16xf32>,
          %parallel_loop3A_259 = arith.constant 48 : i32
          %parallel_loop3A_260 = arith.addi %parallel_loop3A_195, %parallel_loop3A_259 : i32
          %parallel_loop3A_261 = arith.index_cast %scan3A_86 : i32 to index
          %parallel_loop3A_262 = arith.index_cast %parallel_loop3A_260 : i32 to index
          %parallel_loop3A_263 = tpu.vector_load %arg17[%parallel_loop3A_261, %parallel_loop3A_262] {strides = array<i32>} : memref<16x768xf32, #tpu.memory_space<vmem>>, vector<1x16xf32>,
          %parallel_loop3A_264 = vector.shape_cast %parallel_loop3A_263 : vector<1x16xf32> to vector<16xf32>
          %parallel_loop3A_265 = arith.mulf %parallel_loop3A_264, %mul3A_189 : vector<16xf32>
          %parallel_loop3A_266 = arith.subf %parallel_loop3A_265, %mul3A_190 : vector<16xf32>
          %parallel_loop3A_267 = arith.index_cast %parallel_loop3A_260 : i32 to index
          %parallel_loop3A_268 = tpu.vector_load %arg19[%parallel_loop3A_267] {strides = array<i32>} : memref<768xf32, #tpu.memory_space<vmem>>, vector<16xf32>,
          %parallel_loop3A_269 = vector.shape_cast %parallel_loop3A_268 : vector<16xf32> to vector<16xf32>
          %parallel_loop3A_270 = arith.mulf %parallel_loop3A_266, %parallel_loop3A_269 : vector<16xf32>
          %parallel_loop3A_271 = arith.index_cast %parallel_loop3A_260 : i32 to index
          %parallel_loop3A_272 = tpu.vector_load %arg20[%parallel_loop3A_271] {strides = array<i32>} : memref<768xf32, #tpu.memory_space<vmem>>, vector<16xf32>,
          %parallel_loop3A_273 = vector.shape_cast %parallel_loop3A_272 : vector<16xf32> to vector<16xf32>
          %parallel_loop3A_274 = arith.addf %parallel_loop3A_270, %parallel_loop3A_273 : vector<16xf32>
          %parallel_loop3A_275 = arith.index_cast %scan3A_86 : i32 to index
          %parallel_loop3A_276 = arith.index_cast %parallel_loop3A_260 : i32 to index
          %parallel_loop3A_277 = tpu.vector_load %arg17[%parallel_loop3A_275, %parallel_loop3A_276] {strides = array<i32>} : memref<16x768xf32, #tpu.memory_space<vmem>>, vector<1x16xf32>,
          %parallel_loop3A_278 = vector.shape_cast %parallel_loop3A_277 : vector<1x16xf32> to vector<16xf32>
          %parallel_loop3A_279 = vector.shape_cast %parallel_loop3A_274 : vector<16xf32> to vector<1x16xf32>
          tpu.vector_store %arg17[%parallel_loop3A_275, %parallel_loop3A_276], %parallel_loop3A_279 {strides = array<i32>} : memref<16x768xf32, #tpu.memory_space<vmem>>, vector<1x16xf32>,
          %parallel_loop3A_280 = arith.constant 64 : i32
          %parallel_loop3A_281 = arith.addi %parallel_loop3A_195, %parallel_loop3A_280 : i32
          %parallel_loop3A_282 = arith.index_cast %scan3A_86 : i32 to index
          %parallel_loop3A_283 = arith.index_cast %parallel_loop3A_281 : i32 to index
          %parallel_loop3A_284 = tpu.vector_load %arg17[%parallel_loop3A_282, %parallel_loop3A_283] {strides = array<i32>} : memref<16x768xf32, #tpu.memory_space<vmem>>, vector<1x16xf32>,
          %parallel_loop3A_285 = vector.shape_cast %parallel_loop3A_284 : vector<1x16xf32> to vector<16xf32>
          %parallel_loop3A_286 = arith.mulf %parallel_loop3A_285, %mul3A_189 : vector<16xf32>
          %parallel_loop3A_287 = arith.subf %parallel_loop3A_286, %mul3A_190 : vector<16xf32>
          %parallel_loop3A_288 = arith.index_cast %parallel_loop3A_281 : i32 to index
          %parallel_loop3A_289 = tpu.vector_load %arg19[%parallel_loop3A_288] {strides = array<i32>} : memref<768xf32, #tpu.memory_space<vmem>>, vector<16xf32>,
          %parallel_loop3A_290 = vector.shape_cast %parallel_loop3A_289 : vector<16xf32> to vector<16xf32>
          %parallel_loop3A_291 = arith.mulf %parallel_loop3A_287, %parallel_loop3A_290 : vector<16xf32>
          %parallel_loop3A_292 = arith.index_cast %parallel_loop3A_281 : i32 to index
          %parallel_loop3A_293 = tpu.vector_load %arg20[%parallel_loop3A_292] {strides = array<i32>} : memref<768xf32, #tpu.memory_space<vmem>>, vector<16xf32>,
          %parallel_loop3A_294 = vector.shape_cast %parallel_loop3A_293 : vector<16xf32> to vector<16xf32>
          %parallel_loop3A_295 = arith.addf %parallel_loop3A_291, %parallel_loop3A_294 : vector<16xf32>
          %parallel_loop3A_296 = arith.index_cast %scan3A_86 : i32 to index
          %parallel_loop3A_297 = arith.index_cast %parallel_loop3A_281 : i32 to index
          %parallel_loop3A_298 = tpu.vector_load %arg17[%parallel_loop3A_296, %parallel_loop3A_297] {strides = array<i32>} : memref<16x768xf32, #tpu.memory_space<vmem>>, vector<1x16xf32>,
          %parallel_loop3A_299 = vector.shape_cast %parallel_loop3A_298 : vector<1x16xf32> to vector<16xf32>
          %parallel_loop3A_300 = vector.shape_cast %parallel_loop3A_295 : vector<16xf32> to vector<1x16xf32>
          tpu.vector_store %arg17[%parallel_loop3A_296, %parallel_loop3A_297], %parallel_loop3A_300 {strides = array<i32>} : memref<16x768xf32, #tpu.memory_space<vmem>>, vector<1x16xf32>,
          %parallel_loop3A_301 = arith.constant 80 : i32
          %parallel_loop3A_302 = arith.addi %parallel_loop3A_195, %parallel_loop3A_301 : i32
          %parallel_loop3A_303 = arith.index_cast %scan3A_86 : i32 to index
          %parallel_loop3A_304 = arith.index_cast %parallel_loop3A_302 : i32 to index
          %parallel_loop3A_305 = tpu.vector_load %arg17[%parallel_loop3A_303, %parallel_loop3A_304] {strides = array<i32>} : memref<16x768xf32, #tpu.memory_space<vmem>>, vector<1x16xf32>,
          %parallel_loop3A_306 = vector.shape_cast %parallel_loop3A_305 : vector<1x16xf32> to vector<16xf32>
          %parallel_loop3A_307 = arith.mulf %parallel_loop3A_306, %mul3A_189 : vector<16xf32>
          %parallel_loop3A_308 = arith.subf %parallel_loop3A_307, %mul3A_190 : vector<16xf32>
          %parallel_loop3A_309 = arith.index_cast %parallel_loop3A_302 : i32 to index
          %parallel_loop3A_310 = tpu.vector_load %arg19[%parallel_loop3A_309] {strides = array<i32>} : memref<768xf32, #tpu.memory_space<vmem>>, vector<16xf32>,
          %parallel_loop3A_311 = vector.shape_cast %parallel_loop3A_310 : vector<16xf32> to vector<16xf32>
          %parallel_loop3A_312 = arith.mulf %parallel_loop3A_308, %parallel_loop3A_311 : vector<16xf32>
          %parallel_loop3A_313 = arith.index_cast %parallel_loop3A_302 : i32 to index
          %parallel_loop3A_314 = tpu.vector_load %arg20[%parallel_loop3A_313] {strides = array<i32>} : memref<768xf32, #tpu.memory_space<vmem>>, vector<16xf32>,
          %parallel_loop3A_315 = vector.shape_cast %parallel_loop3A_314 : vector<16xf32> to vector<16xf32>
          %parallel_loop3A_316 = arith.addf %parallel_loop3A_312, %parallel_loop3A_315 : vector<16xf32>
          %parallel_loop3A_317 = arith.index_cast %scan3A_86 : i32 to index
          %parallel_loop3A_318 = arith.index_cast %parallel_loop3A_302 : i32 to index
          %parallel_loop3A_319 = tpu.vector_load %arg17[%parallel_loop3A_317, %parallel_loop3A_318] {strides = array<i32>} : memref<16x768xf32, #tpu.memory_space<vmem>>, vector<1x16xf32>,
          %parallel_loop3A_320 = vector.shape_cast %parallel_loop3A_319 : vector<1x16xf32> to vector<16xf32>
          %parallel_loop3A_321 = vector.shape_cast %parallel_loop3A_316 : vector<16xf32> to vector<1x16xf32>
          tpu.vector_store %arg17[%parallel_loop3A_317, %parallel_loop3A_318], %parallel_loop3A_321 {strides = array<i32>} : memref<16x768xf32, #tpu.memory_space<vmem>>, vector<1x16xf32>,
          %parallel_loop3A_322 = arith.constant 96 : i32
          %parallel_loop3A_323 = arith.addi %parallel_loop3A_195, %parallel_loop3A_322 : i32
          %parallel_loop3A_324 = arith.index_cast %scan3A_86 : i32 to index
          %parallel_loop3A_325 = arith.index_cast %parallel_loop3A_323 : i32 to index
          %parallel_loop3A_326 = tpu.vector_load %arg17[%parallel_loop3A_324, %parallel_loop3A_325] {strides = array<i32>} : memref<16x768xf32, #tpu.memory_space<vmem>>, vector<1x16xf32>,
          %parallel_loop3A_327 = vector.shape_cast %parallel_loop3A_326 : vector<1x16xf32> to vector<16xf32>
          %parallel_loop3A_328 = arith.mulf %parallel_loop3A_327, %mul3A_189 : vector<16xf32>
          %parallel_loop3A_329 = arith.subf %parallel_loop3A_328, %mul3A_190 : vector<16xf32>
          %parallel_loop3A_330 = arith.index_cast %parallel_loop3A_323 : i32 to index
          %parallel_loop3A_331 = tpu.vector_load %arg19[%parallel_loop3A_330] {strides = array<i32>} : memref<768xf32, #tpu.memory_space<vmem>>, vector<16xf32>,
          %parallel_loop3A_332 = vector.shape_cast %parallel_loop3A_331 : vector<16xf32> to vector<16xf32>
          %parallel_loop3A_333 = arith.mulf %parallel_loop3A_329, %parallel_loop3A_332 : vector<16xf32>
          %parallel_loop3A_334 = arith.index_cast %parallel_loop3A_323 : i32 to index
          %parallel_loop3A_335 = tpu.vector_load %arg20[%parallel_loop3A_334] {strides = array<i32>} : memref<768xf32, #tpu.memory_space<vmem>>, vector<16xf32>,
          %parallel_loop3A_336 = vector.shape_cast %parallel_loop3A_335 : vector<16xf32> to vector<16xf32>
          %parallel_loop3A_337 = arith.addf %parallel_loop3A_333, %parallel_loop3A_336 : vector<16xf32>
          %parallel_loop3A_338 = arith.index_cast %scan3A_86 : i32 to index
          %parallel_loop3A_339 = arith.index_cast %parallel_loop3A_323 : i32 to index
          %parallel_loop3A_340 = tpu.vector_load %arg17[%parallel_loop3A_338, %parallel_loop3A_339] {strides = array<i32>} : memref<16x768xf32, #tpu.memory_space<vmem>>, vector<1x16xf32>,
          %parallel_loop3A_341 = vector.shape_cast %parallel_loop3A_340 : vector<1x16xf32> to vector<16xf32>
          %parallel_loop3A_342 = vector.shape_cast %parallel_loop3A_337 : vector<16xf32> to vector<1x16xf32>
          tpu.vector_store %arg17[%parallel_loop3A_338, %parallel_loop3A_339], %parallel_loop3A_342 {strides = array<i32>} : memref<16x768xf32, #tpu.memory_space<vmem>>, vector<1x16xf32>,
          %parallel_loop3A_343 = arith.constant 112 : i32
          %parallel_loop3A_344 = arith.addi %parallel_loop3A_195, %parallel_loop3A_343 : i32
          %parallel_loop3A_345 = arith.index_cast %scan3A_86 : i32 to index
          %parallel_loop3A_346 = arith.index_cast %parallel_loop3A_344 : i32 to index
          %parallel_loop3A_347 = tpu.vector_load %arg17[%parallel_loop3A_345, %parallel_loop3A_346] {strides = array<i32>} : memref<16x768xf32, #tpu.memory_space<vmem>>, vector<1x16xf32>,
          %parallel_loop3A_348 = vector.shape_cast %parallel_loop3A_347 : vector<1x16xf32> to vector<16xf32>
          %parallel_loop3A_349 = arith.mulf %parallel_loop3A_348, %mul3A_189 : vector<16xf32>
          %parallel_loop3A_350 = arith.subf %parallel_loop3A_349, %mul3A_190 : vector<16xf32>
          %parallel_loop3A_351 = arith.index_cast %parallel_loop3A_344 : i32 to index
          %parallel_loop3A_352 = tpu.vector_load %arg19[%parallel_loop3A_351] {strides = array<i32>} : memref<768xf32, #tpu.memory_space<vmem>>, vector<16xf32>,
          %parallel_loop3A_353 = vector.shape_cast %parallel_loop3A_352 : vector<16xf32> to vector<16xf32>
          %parallel_loop3A_354 = arith.mulf %parallel_loop3A_350, %parallel_loop3A_353 : vector<16xf32>
          %parallel_loop3A_355 = arith.index_cast %parallel_loop3A_344 : i32 to index
          %parallel_loop3A_356 = tpu.vector_load %arg20[%parallel_loop3A_355] {strides = array<i32>} : memref<768xf32, #tpu.memory_space<vmem>>, vector<16xf32>,
          %parallel_loop3A_357 = vector.shape_cast %parallel_loop3A_356 : vector<16xf32> to vector<16xf32>
          %parallel_loop3A_358 = arith.addf %parallel_loop3A_354, %parallel_loop3A_357 : vector<16xf32>
          %parallel_loop3A_359 = arith.index_cast %scan3A_86 : i32 to index
          %parallel_loop3A_360 = arith.index_cast %parallel_loop3A_344 : i32 to index
          %parallel_loop3A_361 = tpu.vector_load %arg17[%parallel_loop3A_359, %parallel_loop3A_360] {strides = array<i32>} : memref<16x768xf32, #tpu.memory_space<vmem>>, vector<1x16xf32>,
          %parallel_loop3A_362 = vector.shape_cast %parallel_loop3A_361 : vector<1x16xf32> to vector<16xf32>
          %parallel_loop3A_363 = vector.shape_cast %parallel_loop3A_358 : vector<16xf32> to vector<1x16xf32>
          tpu.vector_store %arg17[%parallel_loop3A_359, %parallel_loop3A_360], %parallel_loop3A_363 {strides = array<i32>} : memref<16x768xf32, #tpu.memory_space<vmem>>, vector<1x16xf32>,
        } {sc.loop_unroll_factor = 2 : i64, sc.parallel_access}
        %scan3A_194 = arith.constant 0 : i32
        scf.yield %scan3A_194 : i32
      }
      %scan3A_54 = arith.constant 16 : i32
      %dma_start3A_55 = arith.constant 0 : i32
      %dma_start3A_56 = tpu.memref_slice %arg8[%add3A_31, %dma_start3A_55] : memref<16384x768xf32, #tpu.memory_space<hbm>> -> memref<16x768xf32, #tpu.memory_space<hbm>>
      %dma_start3A_57 = arith.constant 0 : i32
      %dma_start3A_58 = tpu.memref_slice %arg8[%add3A_31, %dma_start3A_57] : memref<16384x768xf32, #tpu.memory_space<hbm>> -> memref<16x768xf32, #tpu.memory_space<hbm>>
      tpu.enqueue_dma source(%arg17 : memref<16x768xf32, #tpu.memory_space<vmem>>) target(%dma_start3A_58 : memref<16x768xf32, #tpu.memory_space<hbm>>) target_semaphore(%arg25 : memref<!tpu.dma_semaphore, #tpu.memory_space<semaphore_mem>>)
      %lt3A = arith.constant 15 : i32
      %lt3A_59 = arith.cmpi slt, %scan3A_25, %lt3A : i32
      %convert_element_type3A_60 = arith.extui %lt3A_59 : i1 to i32
      %cond3A_61 = arith.constant 0 : i32
      %cond3A_62 = arith.cmpi ne, %convert_element_type3A_60, %cond3A_61 : i32
      scf.if %cond3A_62 {
        %add3A_86 = arith.constant 32 : i32
        %add3A_87 = arith.addi %add3A_31, %add3A_86 : i32
        "tpu.region"() ({
          %run_scoped3A = tpu.sem_alloc : memref<!tpu.dma_semaphore, #tpu.memory_space<semaphore_mem>>
          %dma_start3A_94 = tpu.memref_slice %arg2[%add3A_87] : memref<16384xi32, #tpu.memory_space<hbm>> -> memref<16xi32, #tpu.memory_space<hbm>>
          %dma_start3A_95 = tpu.memref_slice %arg2[%add3A_87] : memref<16384xi32, #tpu.memory_space<hbm>> -> memref<16xi32, #tpu.memory_space<hbm>>
          tpu.enqueue_dma source(%dma_start3A_95 : memref<16xi32, #tpu.memory_space<hbm>>) target(%arg9 : memref<16xi32, #tpu.memory_space<vmem>>) target_semaphore(%run_scoped3A : memref<!tpu.dma_semaphore, #tpu.memory_space<semaphore_mem>>)
          %dma_wait3A_96 = tpu.memref_slice %arg2[%add3A_87] : memref<16384xi32, #tpu.memory_space<hbm>> -> memref<16xi32, #tpu.memory_space<hbm>>
          %dma_wait3A_97 = tpu.memref_slice %arg2[%add3A_87] : memref<16384xi32, #tpu.memory_space<hbm>> -> memref<16xi32, #tpu.memory_space<hbm>>
          tpu.wait_dma2 semaphore(%run_scoped3A : memref<!tpu.dma_semaphore, #tpu.memory_space<semaphore_mem>>) src(%dma_wait3A_97 : memref<16xi32, #tpu.memory_space<hbm>>) dst(%arg9 : memref<16xi32, #tpu.memory_space<vmem>>)
          tpu.yield
        }) : () -> ()
        "tpu.region"() ({
          %run_scoped3A = tpu.sem_alloc : memref<!tpu.dma_semaphore, #tpu.memory_space<semaphore_mem>>
          %dma_start3A_94 = tpu.memref_slice %arg3[%add3A_87] : memref<16384xi32, #tpu.memory_space<hbm>> -> memref<16xi32, #tpu.memory_space<hbm>>
          %dma_start3A_95 = tpu.memref_slice %arg3[%add3A_87] : memref<16384xi32, #tpu.memory_space<hbm>> -> memref<16xi32, #tpu.memory_space<hbm>>
          tpu.enqueue_dma source(%dma_start3A_95 : memref<16xi32, #tpu.memory_space<hbm>>) target(%arg10 : memref<16xi32, #tpu.memory_space<vmem>>) target_semaphore(%run_scoped3A : memref<!tpu.dma_semaphore, #tpu.memory_space<semaphore_mem>>)
          %dma_wait3A_96 = tpu.memref_slice %arg3[%add3A_87] : memref<16384xi32, #tpu.memory_space<hbm>> -> memref<16xi32, #tpu.memory_space<hbm>>
          %dma_wait3A_97 = tpu.memref_slice %arg3[%add3A_87] : memref<16384xi32, #tpu.memory_space<hbm>> -> memref<16xi32, #tpu.memory_space<hbm>>
          tpu.wait_dma2 semaphore(%run_scoped3A : memref<!tpu.dma_semaphore, #tpu.memory_space<semaphore_mem>>) src(%dma_wait3A_97 : memref<16xi32, #tpu.memory_space<hbm>>) dst(%arg10 : memref<16xi32, #tpu.memory_space<vmem>>)
          tpu.yield
        }) : () -> ()
        %dma_start3A_88 = arith.constant 0 : i32
        %dma_start3A_89 = arith.constant 0 : i32
        %dma_start3A_90 = tpu.memref_slice %arg4[%dma_start3A_88, %dma_start3A_89] : memref<128100x768xf32, #tpu.memory_space<hbm>> -> memref<128100x768xf32, #tpu.memory_space<hbm>>
        tpu.enqueue_indirect_dma source(%dma_start3A_90 : memref<128100x768xf32, #tpu.memory_space<hbm>>) target(%arg11 : memref<16x768xf32, #tpu.memory_space<vmem>>) offsets(%arg9 : memref<16xi32, #tpu.memory_space<vmem>>) semaphore(%arg21 : memref<!tpu.dma_semaphore, #tpu.memory_space<semaphore_mem>>)
        %dma_start3A_91 = arith.constant 0 : i32
        %dma_start3A_92 = arith.constant 0 : i32
        %dma_start3A_93 = tpu.memref_slice %arg5[%dma_start3A_91, %dma_start3A_92] : memref<8192x768xf32, #tpu.memory_space<hbm>> -> memref<8192x768xf32, #tpu.memory_space<hbm>>
        tpu.enqueue_indirect_dma source(%dma_start3A_93 : memref<8192x768xf32, #tpu.memory_space<hbm>>) target(%arg12 : memref<16x768xf32, #tpu.memory_space<vmem>>) offsets(%arg10 : memref<16xi32, #tpu.memory_space<vmem>>) semaphore(%arg22 : memref<!tpu.dma_semaphore, #tpu.memory_space<semaphore_mem>>)
      } else {
      }
      %gt3A_63 = arith.constant 0 : i32
      %gt3A_64 = arith.cmpi sgt, %scan3A_25, %gt3A_63 : i32
      %convert_element_type3A_65 = arith.extui %gt3A_64 : i1 to i32
      %cond3A_66 = arith.constant 0 : i32
      %cond3A_67 = arith.cmpi ne, %convert_element_type3A_65, %cond3A_66 : i32
      scf.if %cond3A_67 {
        %sub3A = arith.constant 32 : i32
        %sub3A_86 = arith.subi %add3A_33, %sub3A : i32
        %dma_wait3A_87 = arith.constant 0 : i32
        %dma_wait3A_88 = tpu.memref_slice %arg8[%sub3A_86, %dma_wait3A_87] : memref<16384x768xf32, #tpu.memory_space<hbm>> -> memref<16x768xf32, #tpu.memory_space<hbm>>
        %dma_wait3A_89 = arith.constant 0 : i32
        %dma_wait3A_90 = tpu.memref_slice %arg8[%sub3A_86, %dma_wait3A_89] : memref<16384x768xf32, #tpu.memory_space<hbm>> -> memref<16x768xf32, #tpu.memory_space<hbm>>
        tpu.wait_dma2 semaphore(%arg26 : memref<!tpu.dma_semaphore, #tpu.memory_space<semaphore_mem>>) src(%arg18 : memref<16x768xf32, #tpu.memory_space<vmem>>) dst(%dma_wait3A_90 : memref<16x768xf32, #tpu.memory_space<hbm>>)
      } else {
      }
      %dma_wait3A_68 = arith.constant 0 : i32
      %dma_wait3A_69 = arith.constant 0 : i32
      %dma_wait3A_70 = tpu.memref_slice %arg4[%dma_wait3A_68, %dma_wait3A_69] : memref<128100x768xf32, #tpu.memory_space<hbm>> -> memref<128100x768xf32, #tpu.memory_space<hbm>>
      tpu.wait_indirect_dma semaphore(%arg23 : memref<!tpu.dma_semaphore, #tpu.memory_space<semaphore_mem>>) src(%dma_wait3A_70 : memref<128100x768xf32, #tpu.memory_space<hbm>>) dst(%arg15 : memref<16x768xf32, #tpu.memory_space<vmem>>)
      %dma_wait3A_71 = arith.constant 0 : i32
      %dma_wait3A_72 = arith.constant 0 : i32
      %dma_wait3A_73 = tpu.memref_slice %arg5[%dma_wait3A_71, %dma_wait3A_72] : memref<8192x768xf32, #tpu.memory_space<hbm>> -> memref<8192x768xf32, #tpu.memory_space<hbm>>
      tpu.wait_indirect_dma semaphore(%arg24 : memref<!tpu.dma_semaphore, #tpu.memory_space<semaphore_mem>>) src(%dma_wait3A_73 : memref<8192x768xf32, #tpu.memory_space<hbm>>) dst(%arg16 : memref<16x768xf32, #tpu.memory_space<vmem>>)
      %scan3A_74 = arith.constant 0 : i32
      %scan3A_75 = arith.constant 0 : i32
      %scan3A_76 = arith.constant 16 : i32
      %scan3A_77 = arith.addi %scan3A_75, %scan3A_76 : i32
      %scan3A_78 = arith.constant 1 : i32
      %scan3A_79 = scf.for %scan3A_86 = %scan3A_75 to %scan3A_77 step %scan3A_78 iter_args(%scan3A_87 = %scan3A_74) -> (i32)  : i32 {
        %broadcast_in_dim3A = arith.constant 0.000000e+00 : f32
        %broadcast_in_dim3A_88 = vector.broadcast %broadcast_in_dim3A : f32 to vector<16xf32>
        %parallel_loop3A = arith.constant 0 : i32
        %parallel_loop3A_89 = arith.constant 768 : i32
        %parallel_loop3A_90 = arith.constant 128 : i32
        %parallel_loop3A_91:8 = scf.for %parallel_loop3A_195 = %parallel_loop3A to %parallel_loop3A_89 step %parallel_loop3A_90 iter_args(%parallel_loop3A_196 = %broadcast_in_dim3A_88, %parallel_loop3A_197 = %broadcast_in_dim3A_88, %parallel_loop3A_198 = %broadcast_in_dim3A_88, %parallel_loop3A_199 = %broadcast_in_dim3A_88, %parallel_loop3A_200 = %broadcast_in_dim3A_88, %parallel_loop3A_201 = %broadcast_in_dim3A_88, %parallel_loop3A_202 = %broadcast_in_dim3A_88, %parallel_loop3A_203 = %broadcast_in_dim3A_88) -> (vector<16xf32>, vector<16xf32>, vector<16xf32>, vector<16xf32>, vector<16xf32>, vector<16xf32>, vector<16xf32>, vector<16xf32>)  : i32 {
          %parallel_loop3A_204 = arith.constant 0 : i32
          %parallel_loop3A_205 = arith.addi %parallel_loop3A_195, %parallel_loop3A_204 : i32
          %parallel_loop3A_206 = arith.index_cast %scan3A_86 : i32 to index
          %parallel_loop3A_207 = arith.index_cast %parallel_loop3A_205 : i32 to index
          %parallel_loop3A_208 = tpu.vector_load %arg15[%parallel_loop3A_206, %parallel_loop3A_207] {strides = array<i32>} : memref<16x768xf32, #tpu.memory_space<vmem>>, vector<1x16xf32>,
          %parallel_loop3A_209 = vector.shape_cast %parallel_loop3A_208 : vector<1x16xf32> to vector<16xf32>
          %parallel_loop3A_210 = arith.index_cast %scan3A_86 : i32 to index
          %parallel_loop3A_211 = arith.index_cast %parallel_loop3A_205 : i32 to index
          %parallel_loop3A_212 = tpu.vector_load %arg16[%parallel_loop3A_210, %parallel_loop3A_211] {strides = array<i32>} : memref<16x768xf32, #tpu.memory_space<vmem>>, vector<1x16xf32>,
          %parallel_loop3A_213 = vector.shape_cast %parallel_loop3A_212 : vector<1x16xf32> to vector<16xf32>
          %parallel_loop3A_214 = arith.addf %parallel_loop3A_209, %parallel_loop3A_213 : vector<16xf32>
          %parallel_loop3A_215 = arith.index_cast %scan3A_86 : i32 to index
          %parallel_loop3A_216 = arith.index_cast %parallel_loop3A_205 : i32 to index
          %parallel_loop3A_217 = tpu.vector_load %arg18[%parallel_loop3A_215, %parallel_loop3A_216] {strides = array<i32>} : memref<16x768xf32, #tpu.memory_space<vmem>>, vector<1x16xf32>,
          %parallel_loop3A_218 = vector.shape_cast %parallel_loop3A_217 : vector<1x16xf32> to vector<16xf32>
          %parallel_loop3A_219 = vector.shape_cast %parallel_loop3A_214 : vector<16xf32> to vector<1x16xf32>
          tpu.vector_store %arg18[%parallel_loop3A_215, %parallel_loop3A_216], %parallel_loop3A_219 {strides = array<i32>} : memref<16x768xf32, #tpu.memory_space<vmem>>, vector<1x16xf32>,
          %parallel_loop3A_220 = arith.addf %parallel_loop3A_196, %parallel_loop3A_214 : vector<16xf32>
          %parallel_loop3A_221 = arith.mulf %parallel_loop3A_214, %parallel_loop3A_214 : vector<16xf32>
          %parallel_loop3A_222 = arith.addf %parallel_loop3A_200, %parallel_loop3A_221 : vector<16xf32>
          %parallel_loop3A_223 = arith.constant 16 : i32
          %parallel_loop3A_224 = arith.addi %parallel_loop3A_195, %parallel_loop3A_223 : i32
          %parallel_loop3A_225 = arith.index_cast %scan3A_86 : i32 to index
          %parallel_loop3A_226 = arith.index_cast %parallel_loop3A_224 : i32 to index
          %parallel_loop3A_227 = tpu.vector_load %arg15[%parallel_loop3A_225, %parallel_loop3A_226] {strides = array<i32>} : memref<16x768xf32, #tpu.memory_space<vmem>>, vector<1x16xf32>,
          %parallel_loop3A_228 = vector.shape_cast %parallel_loop3A_227 : vector<1x16xf32> to vector<16xf32>
          %parallel_loop3A_229 = arith.index_cast %scan3A_86 : i32 to index
          %parallel_loop3A_230 = arith.index_cast %parallel_loop3A_224 : i32 to index
          %parallel_loop3A_231 = tpu.vector_load %arg16[%parallel_loop3A_229, %parallel_loop3A_230] {strides = array<i32>} : memref<16x768xf32, #tpu.memory_space<vmem>>, vector<1x16xf32>,
          %parallel_loop3A_232 = vector.shape_cast %parallel_loop3A_231 : vector<1x16xf32> to vector<16xf32>
          %parallel_loop3A_233 = arith.addf %parallel_loop3A_228, %parallel_loop3A_232 : vector<16xf32>
          %parallel_loop3A_234 = arith.index_cast %scan3A_86 : i32 to index
          %parallel_loop3A_235 = arith.index_cast %parallel_loop3A_224 : i32 to index
          %parallel_loop3A_236 = tpu.vector_load %arg18[%parallel_loop3A_234, %parallel_loop3A_235] {strides = array<i32>} : memref<16x768xf32, #tpu.memory_space<vmem>>, vector<1x16xf32>,
          %parallel_loop3A_237 = vector.shape_cast %parallel_loop3A_236 : vector<1x16xf32> to vector<16xf32>
          %parallel_loop3A_238 = vector.shape_cast %parallel_loop3A_233 : vector<16xf32> to vector<1x16xf32>
          tpu.vector_store %arg18[%parallel_loop3A_234, %parallel_loop3A_235], %parallel_loop3A_238 {strides = array<i32>} : memref<16x768xf32, #tpu.memory_space<vmem>>, vector<1x16xf32>,
          %parallel_loop3A_239 = arith.addf %parallel_loop3A_197, %parallel_loop3A_233 : vector<16xf32>
          %parallel_loop3A_240 = arith.mulf %parallel_loop3A_233, %parallel_loop3A_233 : vector<16xf32>
          %parallel_loop3A_241 = arith.addf %parallel_loop3A_201, %parallel_loop3A_240 : vector<16xf32>
          %parallel_loop3A_242 = arith.constant 32 : i32
          %parallel_loop3A_243 = arith.addi %parallel_loop3A_195, %parallel_loop3A_242 : i32
          %parallel_loop3A_244 = arith.index_cast %scan3A_86 : i32 to index
          %parallel_loop3A_245 = arith.index_cast %parallel_loop3A_243 : i32 to index
          %parallel_loop3A_246 = tpu.vector_load %arg15[%parallel_loop3A_244, %parallel_loop3A_245] {strides = array<i32>} : memref<16x768xf32, #tpu.memory_space<vmem>>, vector<1x16xf32>,
          %parallel_loop3A_247 = vector.shape_cast %parallel_loop3A_246 : vector<1x16xf32> to vector<16xf32>
          %parallel_loop3A_248 = arith.index_cast %scan3A_86 : i32 to index
          %parallel_loop3A_249 = arith.index_cast %parallel_loop3A_243 : i32 to index
          %parallel_loop3A_250 = tpu.vector_load %arg16[%parallel_loop3A_248, %parallel_loop3A_249] {strides = array<i32>} : memref<16x768xf32, #tpu.memory_space<vmem>>, vector<1x16xf32>,
          %parallel_loop3A_251 = vector.shape_cast %parallel_loop3A_250 : vector<1x16xf32> to vector<16xf32>
          %parallel_loop3A_252 = arith.addf %parallel_loop3A_247, %parallel_loop3A_251 : vector<16xf32>
          %parallel_loop3A_253 = arith.index_cast %scan3A_86 : i32 to index
          %parallel_loop3A_254 = arith.index_cast %parallel_loop3A_243 : i32 to index
          %parallel_loop3A_255 = tpu.vector_load %arg18[%parallel_loop3A_253, %parallel_loop3A_254] {strides = array<i32>} : memref<16x768xf32, #tpu.memory_space<vmem>>, vector<1x16xf32>,
          %parallel_loop3A_256 = vector.shape_cast %parallel_loop3A_255 : vector<1x16xf32> to vector<16xf32>
          %parallel_loop3A_257 = vector.shape_cast %parallel_loop3A_252 : vector<16xf32> to vector<1x16xf32>
          tpu.vector_store %arg18[%parallel_loop3A_253, %parallel_loop3A_254], %parallel_loop3A_257 {strides = array<i32>} : memref<16x768xf32, #tpu.memory_space<vmem>>, vector<1x16xf32>,
          %parallel_loop3A_258 = arith.addf %parallel_loop3A_198, %parallel_loop3A_252 : vector<16xf32>
          %parallel_loop3A_259 = arith.mulf %parallel_loop3A_252, %parallel_loop3A_252 : vector<16xf32>
          %parallel_loop3A_260 = arith.addf %parallel_loop3A_202, %parallel_loop3A_259 : vector<16xf32>
          %parallel_loop3A_261 = arith.constant 48 : i32
          %parallel_loop3A_262 = arith.addi %parallel_loop3A_195, %parallel_loop3A_261 : i32
          %parallel_loop3A_263 = arith.index_cast %scan3A_86 : i32 to index
          %parallel_loop3A_264 = arith.index_cast %parallel_loop3A_262 : i32 to index
          %parallel_loop3A_265 = tpu.vector_load %arg15[%parallel_loop3A_263, %parallel_loop3A_264] {strides = array<i32>} : memref<16x768xf32, #tpu.memory_space<vmem>>, vector<1x16xf32>,
          %parallel_loop3A_266 = vector.shape_cast %parallel_loop3A_265 : vector<1x16xf32> to vector<16xf32>
          %parallel_loop3A_267 = arith.index_cast %scan3A_86 : i32 to index
          %parallel_loop3A_268 = arith.index_cast %parallel_loop3A_262 : i32 to index
          %parallel_loop3A_269 = tpu.vector_load %arg16[%parallel_loop3A_267, %parallel_loop3A_268] {strides = array<i32>} : memref<16x768xf32, #tpu.memory_space<vmem>>, vector<1x16xf32>,
          %parallel_loop3A_270 = vector.shape_cast %parallel_loop3A_269 : vector<1x16xf32> to vector<16xf32>
          %parallel_loop3A_271 = arith.addf %parallel_loop3A_266, %parallel_loop3A_270 : vector<16xf32>
          %parallel_loop3A_272 = arith.index_cast %scan3A_86 : i32 to index
          %parallel_loop3A_273 = arith.index_cast %parallel_loop3A_262 : i32 to index
          %parallel_loop3A_274 = tpu.vector_load %arg18[%parallel_loop3A_272, %parallel_loop3A_273] {strides = array<i32>} : memref<16x768xf32, #tpu.memory_space<vmem>>, vector<1x16xf32>,
          %parallel_loop3A_275 = vector.shape_cast %parallel_loop3A_274 : vector<1x16xf32> to vector<16xf32>
          %parallel_loop3A_276 = vector.shape_cast %parallel_loop3A_271 : vector<16xf32> to vector<1x16xf32>
          tpu.vector_store %arg18[%parallel_loop3A_272, %parallel_loop3A_273], %parallel_loop3A_276 {strides = array<i32>} : memref<16x768xf32, #tpu.memory_space<vmem>>, vector<1x16xf32>,
          %parallel_loop3A_277 = arith.addf %parallel_loop3A_199, %parallel_loop3A_271 : vector<16xf32>
          %parallel_loop3A_278 = arith.mulf %parallel_loop3A_271, %parallel_loop3A_271 : vector<16xf32>
          %parallel_loop3A_279 = arith.addf %parallel_loop3A_203, %parallel_loop3A_278 : vector<16xf32>
          %parallel_loop3A_280 = arith.constant 64 : i32
          %parallel_loop3A_281 = arith.addi %parallel_loop3A_195, %parallel_loop3A_280 : i32
          %parallel_loop3A_282 = arith.index_cast %scan3A_86 : i32 to index
          %parallel_loop3A_283 = arith.index_cast %parallel_loop3A_281 : i32 to index
          %parallel_loop3A_284 = tpu.vector_load %arg15[%parallel_loop3A_282, %parallel_loop3A_283] {strides = array<i32>} : memref<16x768xf32, #tpu.memory_space<vmem>>, vector<1x16xf32>,
          %parallel_loop3A_285 = vector.shape_cast %parallel_loop3A_284 : vector<1x16xf32> to vector<16xf32>
          %parallel_loop3A_286 = arith.index_cast %scan3A_86 : i32 to index
          %parallel_loop3A_287 = arith.index_cast %parallel_loop3A_281 : i32 to index
          %parallel_loop3A_288 = tpu.vector_load %arg16[%parallel_loop3A_286, %parallel_loop3A_287] {strides = array<i32>} : memref<16x768xf32, #tpu.memory_space<vmem>>, vector<1x16xf32>,
          %parallel_loop3A_289 = vector.shape_cast %parallel_loop3A_288 : vector<1x16xf32> to vector<16xf32>
          %parallel_loop3A_290 = arith.addf %parallel_loop3A_285, %parallel_loop3A_289 : vector<16xf32>
          %parallel_loop3A_291 = arith.index_cast %scan3A_86 : i32 to index
          %parallel_loop3A_292 = arith.index_cast %parallel_loop3A_281 : i32 to index
          %parallel_loop3A_293 = tpu.vector_load %arg18[%parallel_loop3A_291, %parallel_loop3A_292] {strides = array<i32>} : memref<16x768xf32, #tpu.memory_space<vmem>>, vector<1x16xf32>,
          %parallel_loop3A_294 = vector.shape_cast %parallel_loop3A_293 : vector<1x16xf32> to vector<16xf32>
          %parallel_loop3A_295 = vector.shape_cast %parallel_loop3A_290 : vector<16xf32> to vector<1x16xf32>
          tpu.vector_store %arg18[%parallel_loop3A_291, %parallel_loop3A_292], %parallel_loop3A_295 {strides = array<i32>} : memref<16x768xf32, #tpu.memory_space<vmem>>, vector<1x16xf32>,
          %parallel_loop3A_296 = arith.addf %parallel_loop3A_220, %parallel_loop3A_290 : vector<16xf32>
          %parallel_loop3A_297 = arith.mulf %parallel_loop3A_290, %parallel_loop3A_290 : vector<16xf32>
          %parallel_loop3A_298 = arith.addf %parallel_loop3A_222, %parallel_loop3A_297 : vector<16xf32>
          %parallel_loop3A_299 = arith.constant 80 : i32
          %parallel_loop3A_300 = arith.addi %parallel_loop3A_195, %parallel_loop3A_299 : i32
          %parallel_loop3A_301 = arith.index_cast %scan3A_86 : i32 to index
          %parallel_loop3A_302 = arith.index_cast %parallel_loop3A_300 : i32 to index
          %parallel_loop3A_303 = tpu.vector_load %arg15[%parallel_loop3A_301, %parallel_loop3A_302] {strides = array<i32>} : memref<16x768xf32, #tpu.memory_space<vmem>>, vector<1x16xf32>,
          %parallel_loop3A_304 = vector.shape_cast %parallel_loop3A_303 : vector<1x16xf32> to vector<16xf32>
          %parallel_loop3A_305 = arith.index_cast %scan3A_86 : i32 to index
          %parallel_loop3A_306 = arith.index_cast %parallel_loop3A_300 : i32 to index
          %parallel_loop3A_307 = tpu.vector_load %arg16[%parallel_loop3A_305, %parallel_loop3A_306] {strides = array<i32>} : memref<16x768xf32, #tpu.memory_space<vmem>>, vector<1x16xf32>,
          %parallel_loop3A_308 = vector.shape_cast %parallel_loop3A_307 : vector<1x16xf32> to vector<16xf32>
          %parallel_loop3A_309 = arith.addf %parallel_loop3A_304, %parallel_loop3A_308 : vector<16xf32>
          %parallel_loop3A_310 = arith.index_cast %scan3A_86 : i32 to index
          %parallel_loop3A_311 = arith.index_cast %parallel_loop3A_300 : i32 to index
          %parallel_loop3A_312 = tpu.vector_load %arg18[%parallel_loop3A_310, %parallel_loop3A_311] {strides = array<i32>} : memref<16x768xf32, #tpu.memory_space<vmem>>, vector<1x16xf32>,
          %parallel_loop3A_313 = vector.shape_cast %parallel_loop3A_312 : vector<1x16xf32> to vector<16xf32>
          %parallel_loop3A_314 = vector.shape_cast %parallel_loop3A_309 : vector<16xf32> to vector<1x16xf32>
          tpu.vector_store %arg18[%parallel_loop3A_310, %parallel_loop3A_311], %parallel_loop3A_314 {strides = array<i32>} : memref<16x768xf32, #tpu.memory_space<vmem>>, vector<1x16xf32>,
          %parallel_loop3A_315 = arith.addf %parallel_loop3A_239, %parallel_loop3A_309 : vector<16xf32>
          %parallel_loop3A_316 = arith.mulf %parallel_loop3A_309, %parallel_loop3A_309 : vector<16xf32>
          %parallel_loop3A_317 = arith.addf %parallel_loop3A_241, %parallel_loop3A_316 : vector<16xf32>
          %parallel_loop3A_318 = arith.constant 96 : i32
          %parallel_loop3A_319 = arith.addi %parallel_loop3A_195, %parallel_loop3A_318 : i32
          %parallel_loop3A_320 = arith.index_cast %scan3A_86 : i32 to index
          %parallel_loop3A_321 = arith.index_cast %parallel_loop3A_319 : i32 to index
          %parallel_loop3A_322 = tpu.vector_load %arg15[%parallel_loop3A_320, %parallel_loop3A_321] {strides = array<i32>} : memref<16x768xf32, #tpu.memory_space<vmem>>, vector<1x16xf32>,
          %parallel_loop3A_323 = vector.shape_cast %parallel_loop3A_322 : vector<1x16xf32> to vector<16xf32>
          %parallel_loop3A_324 = arith.index_cast %scan3A_86 : i32 to index
          %parallel_loop3A_325 = arith.index_cast %parallel_loop3A_319 : i32 to index
          %parallel_loop3A_326 = tpu.vector_load %arg16[%parallel_loop3A_324, %parallel_loop3A_325] {strides = array<i32>} : memref<16x768xf32, #tpu.memory_space<vmem>>, vector<1x16xf32>,
          %parallel_loop3A_327 = vector.shape_cast %parallel_loop3A_326 : vector<1x16xf32> to vector<16xf32>
          %parallel_loop3A_328 = arith.addf %parallel_loop3A_323, %parallel_loop3A_327 : vector<16xf32>
          %parallel_loop3A_329 = arith.index_cast %scan3A_86 : i32 to index
          %parallel_loop3A_330 = arith.index_cast %parallel_loop3A_319 : i32 to index
          %parallel_loop3A_331 = tpu.vector_load %arg18[%parallel_loop3A_329, %parallel_loop3A_330] {strides = array<i32>} : memref<16x768xf32, #tpu.memory_space<vmem>>, vector<1x16xf32>,
          %parallel_loop3A_332 = vector.shape_cast %parallel_loop3A_331 : vector<1x16xf32> to vector<16xf32>
          %parallel_loop3A_333 = vector.shape_cast %parallel_loop3A_328 : vector<16xf32> to vector<1x16xf32>
          tpu.vector_store %arg18[%parallel_loop3A_329, %parallel_loop3A_330], %parallel_loop3A_333 {strides = array<i32>} : memref<16x768xf32, #tpu.memory_space<vmem>>, vector<1x16xf32>,
          %parallel_loop3A_334 = arith.addf %parallel_loop3A_258, %parallel_loop3A_328 : vector<16xf32>
          %parallel_loop3A_335 = arith.mulf %parallel_loop3A_328, %parallel_loop3A_328 : vector<16xf32>
          %parallel_loop3A_336 = arith.addf %parallel_loop3A_260, %parallel_loop3A_335 : vector<16xf32>
          %parallel_loop3A_337 = arith.constant 112 : i32
          %parallel_loop3A_338 = arith.addi %parallel_loop3A_195, %parallel_loop3A_337 : i32
          %parallel_loop3A_339 = arith.index_cast %scan3A_86 : i32 to index
          %parallel_loop3A_340 = arith.index_cast %parallel_loop3A_338 : i32 to index
          %parallel_loop3A_341 = tpu.vector_load %arg15[%parallel_loop3A_339, %parallel_loop3A_340] {strides = array<i32>} : memref<16x768xf32, #tpu.memory_space<vmem>>, vector<1x16xf32>,
          %parallel_loop3A_342 = vector.shape_cast %parallel_loop3A_341 : vector<1x16xf32> to vector<16xf32>
          %parallel_loop3A_343 = arith.index_cast %scan3A_86 : i32 to index
          %parallel_loop3A_344 = arith.index_cast %parallel_loop3A_338 : i32 to index
          %parallel_loop3A_345 = tpu.vector_load %arg16[%parallel_loop3A_343, %parallel_loop3A_344] {strides = array<i32>} : memref<16x768xf32, #tpu.memory_space<vmem>>, vector<1x16xf32>,
          %parallel_loop3A_346 = vector.shape_cast %parallel_loop3A_345 : vector<1x16xf32> to vector<16xf32>
          %parallel_loop3A_347 = arith.addf %parallel_loop3A_342, %parallel_loop3A_346 : vector<16xf32>
          %parallel_loop3A_348 = arith.index_cast %scan3A_86 : i32 to index
          %parallel_loop3A_349 = arith.index_cast %parallel_loop3A_338 : i32 to index
          %parallel_loop3A_350 = tpu.vector_load %arg18[%parallel_loop3A_348, %parallel_loop3A_349] {strides = array<i32>} : memref<16x768xf32, #tpu.memory_space<vmem>>, vector<1x16xf32>,
          %parallel_loop3A_351 = vector.shape_cast %parallel_loop3A_350 : vector<1x16xf32> to vector<16xf32>
          %parallel_loop3A_352 = vector.shape_cast %parallel_loop3A_347 : vector<16xf32> to vector<1x16xf32>
          tpu.vector_store %arg18[%parallel_loop3A_348, %parallel_loop3A_349], %parallel_loop3A_352 {strides = array<i32>} : memref<16x768xf32, #tpu.memory_space<vmem>>, vector<1x16xf32>,
          %parallel_loop3A_353 = arith.addf %parallel_loop3A_277, %parallel_loop3A_347 : vector<16xf32>
          %parallel_loop3A_354 = arith.mulf %parallel_loop3A_347, %parallel_loop3A_347 : vector<16xf32>
          %parallel_loop3A_355 = arith.addf %parallel_loop3A_279, %parallel_loop3A_354 : vector<16xf32>
          scf.yield %parallel_loop3A_296, %parallel_loop3A_315, %parallel_loop3A_334, %parallel_loop3A_353, %parallel_loop3A_298, %parallel_loop3A_317, %parallel_loop3A_336, %parallel_loop3A_355 : vector<16xf32>, vector<16xf32>, vector<16xf32>, vector<16xf32>, vector<16xf32>, vector<16xf32>, vector<16xf32>, vector<16xf32>
        } {sc.loop_unroll_factor = 2 : i64, sc.parallel_access}
        %add3A_92 = arith.addf %parallel_loop3A_91#0, %parallel_loop3A_91#1 : vector<16xf32>
        %add3A_93 = arith.addf %parallel_loop3A_91#2, %parallel_loop3A_91#3 : vector<16xf32>
        %add3A_94 = arith.addf %add3A_92, %add3A_93 : vector<16xf32>
        %add3A_95 = arith.addf %parallel_loop3A_91#4, %parallel_loop3A_91#5 : vector<16xf32>
        %add3A_96 = arith.addf %parallel_loop3A_91#6, %parallel_loop3A_91#7 : vector<16xf32>
        %add3A_97 = arith.addf %add3A_95, %add3A_96 : vector<16xf32>
        %iota3A = tpu.iota {dimensions = array<i32: 0>} : vector<16xi32>
        %xor3A = arith.constant 8 : i32
        %xor3A_98 = vector.broadcast %xor3A : i32 to vector<16xi32>
        %xor3A_99 = arith.xori %iota3A, %xor3A_98 : vector<16xi32>
        %broadcast_in_dim3A_100 = vector.shape_cast %xor3A_99 : vector<16xi32> to vector<16x1xi32>
        %gather3A = vector.shape_cast %broadcast_in_dim3A_100 : vector<16x1xi32> to vector<16xi32>
        %gather3A_101 = tpu.dynamic_gather %add3A_94[%gather3A] in [0] : vector<16xf32>, vector<16xi32> -> vector<16xf32>
        %add3A_102 = arith.addf %add3A_94, %gather3A_101 : vector<16xf32>
        %xor3A_103 = arith.constant 4 : i32
        %xor3A_104 = vector.broadcast %xor3A_103 : i32 to vector<16xi32>
        %xor3A_105 = arith.xori %iota3A, %xor3A_104 : vector<16xi32>
        %broadcast_in_dim3A_106 = vector.shape_cast %xor3A_105 : vector<16xi32> to vector<16x1xi32>
        %gather3A_107 = vector.shape_cast %broadcast_in_dim3A_106 : vector<16x1xi32> to vector<16xi32>
        %gather3A_108 = tpu.dynamic_gather %add3A_102[%gather3A_107] in [0] : vector<16xf32>, vector<16xi32> -> vector<16xf32>
        %add3A_109 = arith.addf %add3A_102, %gather3A_108 : vector<16xf32>
        %xor3A_110 = arith.constant 2 : i32
        %xor3A_111 = vector.broadcast %xor3A_110 : i32 to vector<16xi32>
        %xor3A_112 = arith.xori %iota3A, %xor3A_111 : vector<16xi32>
        %broadcast_in_dim3A_113 = vector.shape_cast %xor3A_112 : vector<16xi32> to vector<16x1xi32>
        %gather3A_114 = vector.shape_cast %broadcast_in_dim3A_113 : vector<16x1xi32> to vector<16xi32>
        %gather3A_115 = tpu.dynamic_gather %add3A_109[%gather3A_114] in [0] : vector<16xf32>, vector<16xi32> -> vector<16xf32>
        %add3A_116 = arith.addf %add3A_109, %gather3A_115 : vector<16xf32>
        %xor3A_117 = arith.constant 1 : i32
        %xor3A_118 = vector.broadcast %xor3A_117 : i32 to vector<16xi32>
        %xor3A_119 = arith.xori %iota3A, %xor3A_118 : vector<16xi32>
        %broadcast_in_dim3A_120 = vector.shape_cast %xor3A_119 : vector<16xi32> to vector<16x1xi32>
        %gather3A_121 = vector.shape_cast %broadcast_in_dim3A_120 : vector<16x1xi32> to vector<16xi32>
        %gather3A_122 = tpu.dynamic_gather %add3A_116[%gather3A_121] in [0] : vector<16xf32>, vector<16xi32> -> vector<16xf32>
        %add3A_123 = arith.addf %add3A_116, %gather3A_122 : vector<16xf32>
        %mul3A_124 = arith.constant 0.00130208337 : f32
        %mul3A_125 = vector.broadcast %mul3A_124 : f32 to vector<16xf32>
        %mul3A_126 = arith.mulf %add3A_123, %mul3A_125 : vector<16xf32>
        %iota3A_127 = tpu.iota {dimensions = array<i32: 0>} : vector<16xi32>
        %xor3A_128 = arith.constant 8 : i32
        %xor3A_129 = vector.broadcast %xor3A_128 : i32 to vector<16xi32>
        %xor3A_130 = arith.xori %iota3A_127, %xor3A_129 : vector<16xi32>
        %broadcast_in_dim3A_131 = vector.shape_cast %xor3A_130 : vector<16xi32> to vector<16x1xi32>
        %gather3A_132 = vector.shape_cast %broadcast_in_dim3A_131 : vector<16x1xi32> to vector<16xi32>
        %gather3A_133 = tpu.dynamic_gather %add3A_97[%gather3A_132] in [0] : vector<16xf32>, vector<16xi32> -> vector<16xf32>
        %add3A_134 = arith.addf %add3A_97, %gather3A_133 : vector<16xf32>
        %xor3A_135 = arith.constant 4 : i32
        %xor3A_136 = vector.broadcast %xor3A_135 : i32 to vector<16xi32>
        %xor3A_137 = arith.xori %iota3A_127, %xor3A_136 : vector<16xi32>
        %broadcast_in_dim3A_138 = vector.shape_cast %xor3A_137 : vector<16xi32> to vector<16x1xi32>
        %gather3A_139 = vector.shape_cast %broadcast_in_dim3A_138 : vector<16x1xi32> to vector<16xi32>
        %gather3A_140 = tpu.dynamic_gather %add3A_134[%gather3A_139] in [0] : vector<16xf32>, vector<16xi32> -> vector<16xf32>
        %add3A_141 = arith.addf %add3A_134, %gather3A_140 : vector<16xf32>
        %xor3A_142 = arith.constant 2 : i32
        %xor3A_143 = vector.broadcast %xor3A_142 : i32 to vector<16xi32>
        %xor3A_144 = arith.xori %iota3A_127, %xor3A_143 : vector<16xi32>
        %broadcast_in_dim3A_145 = vector.shape_cast %xor3A_144 : vector<16xi32> to vector<16x1xi32>
        %gather3A_146 = vector.shape_cast %broadcast_in_dim3A_145 : vector<16x1xi32> to vector<16xi32>
        %gather3A_147 = tpu.dynamic_gather %add3A_141[%gather3A_146] in [0] : vector<16xf32>, vector<16xi32> -> vector<16xf32>
        %add3A_148 = arith.addf %add3A_141, %gather3A_147 : vector<16xf32>
        %xor3A_149 = arith.constant 1 : i32
        %xor3A_150 = vector.broadcast %xor3A_149 : i32 to vector<16xi32>
        %xor3A_151 = arith.xori %iota3A_127, %xor3A_150 : vector<16xi32>
        %broadcast_in_dim3A_152 = vector.shape_cast %xor3A_151 : vector<16xi32> to vector<16x1xi32>
        %gather3A_153 = vector.shape_cast %broadcast_in_dim3A_152 : vector<16x1xi32> to vector<16xi32>
        %gather3A_154 = tpu.dynamic_gather %add3A_148[%gather3A_153] in [0] : vector<16xf32>, vector<16xi32> -> vector<16xf32>
        %add3A_155 = arith.addf %add3A_148, %gather3A_154 : vector<16xf32>
        %mul3A_156 = arith.constant 0.00130208337 : f32
        %mul3A_157 = vector.broadcast %mul3A_156 : f32 to vector<16xf32>
        %mul3A_158 = arith.mulf %add3A_155, %mul3A_157 : vector<16xf32>
        %mul3A_159 = arith.mulf %mul3A_126, %mul3A_126 : vector<16xf32>
        %sub3A = arith.subf %mul3A_158, %mul3A_159 : vector<16xf32>
        %add3A_160 = arith.constant 1.000000e-07 : f32
        %add3A_161 = vector.broadcast %add3A_160 : f32 to vector<16xf32>
        %add3A_162 = arith.addf %sub3A, %add3A_161 : vector<16xf32>
        %bitcast_convert_type3A = tpu.bitcast %add3A_162 : vector<16xf32> -> vector<16xi32>
        %broadcast_in_dim3A_163 = arith.constant 1597463007 : i32
        %broadcast_in_dim3A_164 = vector.broadcast %broadcast_in_dim3A_163 : i32 to vector<16xi32>
        %shift_right_arithmetic3A = arith.constant 1 : i32
        %shift_right_arithmetic3A_165 = vector.broadcast %shift_right_arithmetic3A : i32 to vector<16xi32>
        %shift_right_arithmetic3A_166 = arith.shrsi %bitcast_convert_type3A, %shift_right_arithmetic3A_165 : vector<16xi32>
        %sub3A_167 = arith.subi %broadcast_in_dim3A_164, %shift_right_arithmetic3A_166 : vector<16xi32>
        %bitcast_convert_type3A_168 = tpu.bitcast %sub3A_167 : vector<16xi32> -> vector<16xf32>
        %mul3A_169 = arith.constant 5.000000e-01 : f32
        %mul3A_170 = vector.broadcast %mul3A_169 : f32 to vector<16xf32>
        %mul3A_171 = arith.mulf %add3A_162, %mul3A_170 : vector<16xf32>
        %mul3A_172 = arith.mulf %mul3A_171, %bitcast_convert_type3A_168 : vector<16xf32>
        %mul3A_173 = arith.mulf %mul3A_172, %bitcast_convert_type3A_168 : vector<16xf32>
        %sub3A_174 = arith.constant 1.500000e+00 : f32
        %sub3A_175 = vector.broadcast %sub3A_174 : f32 to vector<16xf32>
        %sub3A_176 = arith.subf %sub3A_175, %mul3A_173 : vector<16xf32>
        %mul3A_177 = arith.mulf %bitcast_convert_type3A_168, %sub3A_176 : vector<16xf32>
        %mul3A_178 = arith.mulf %mul3A_171, %mul3A_177 : vector<16xf32>
        %mul3A_179 = arith.mulf %mul3A_178, %mul3A_177 : vector<16xf32>
        %sub3A_180 = arith.constant 1.500000e+00 : f32
        %sub3A_181 = vector.broadcast %sub3A_180 : f32 to vector<16xf32>
        %sub3A_182 = arith.subf %sub3A_181, %mul3A_179 : vector<16xf32>
        %mul3A_183 = arith.mulf %mul3A_177, %sub3A_182 : vector<16xf32>
        %mul3A_184 = arith.mulf %mul3A_171, %mul3A_183 : vector<16xf32>
        %mul3A_185 = arith.mulf %mul3A_184, %mul3A_183 : vector<16xf32>
        %sub3A_186 = arith.constant 1.500000e+00 : f32
        %sub3A_187 = vector.broadcast %sub3A_186 : f32 to vector<16xf32>
        %sub3A_188 = arith.subf %sub3A_187, %mul3A_185 : vector<16xf32>
        %mul3A_189 = arith.mulf %mul3A_183, %sub3A_188 : vector<16xf32>
        %mul3A_190 = arith.mulf %mul3A_126, %mul3A_189 : vector<16xf32>
        %parallel_loop3A_191 = arith.constant 0 : i32
        %parallel_loop3A_192 = arith.constant 768 : i32
        %parallel_loop3A_193 = arith.constant 128 : i32
        scf.for %parallel_loop3A_195 = %parallel_loop3A_191 to %parallel_loop3A_192 step %parallel_loop3A_193  : i32 {
          %parallel_loop3A_196 = arith.constant 0 : i32
          %parallel_loop3A_197 = arith.addi %parallel_loop3A_195, %parallel_loop3A_196 : i32
          %parallel_loop3A_198 = arith.index_cast %scan3A_86 : i32 to index
          %parallel_loop3A_199 = arith.index_cast %parallel_loop3A_197 : i32 to index
          %parallel_loop3A_200 = tpu.vector_load %arg18[%parallel_loop3A_198, %parallel_loop3A_199] {strides = array<i32>} : memref<16x768xf32, #tpu.memory_space<vmem>>, vector<1x16xf32>,
          %parallel_loop3A_201 = vector.shape_cast %parallel_loop3A_200 : vector<1x16xf32> to vector<16xf32>
          %parallel_loop3A_202 = arith.mulf %parallel_loop3A_201, %mul3A_189 : vector<16xf32>
          %parallel_loop3A_203 = arith.subf %parallel_loop3A_202, %mul3A_190 : vector<16xf32>
          %parallel_loop3A_204 = arith.index_cast %parallel_loop3A_197 : i32 to index
          %parallel_loop3A_205 = tpu.vector_load %arg19[%parallel_loop3A_204] {strides = array<i32>} : memref<768xf32, #tpu.memory_space<vmem>>, vector<16xf32>,
          %parallel_loop3A_206 = vector.shape_cast %parallel_loop3A_205 : vector<16xf32> to vector<16xf32>
          %parallel_loop3A_207 = arith.mulf %parallel_loop3A_203, %parallel_loop3A_206 : vector<16xf32>
          %parallel_loop3A_208 = arith.index_cast %parallel_loop3A_197 : i32 to index
          %parallel_loop3A_209 = tpu.vector_load %arg20[%parallel_loop3A_208] {strides = array<i32>} : memref<768xf32, #tpu.memory_space<vmem>>, vector<16xf32>,
          %parallel_loop3A_210 = vector.shape_cast %parallel_loop3A_209 : vector<16xf32> to vector<16xf32>
          %parallel_loop3A_211 = arith.addf %parallel_loop3A_207, %parallel_loop3A_210 : vector<16xf32>
          %parallel_loop3A_212 = arith.index_cast %scan3A_86 : i32 to index
          %parallel_loop3A_213 = arith.index_cast %parallel_loop3A_197 : i32 to index
          %parallel_loop3A_214 = tpu.vector_load %arg18[%parallel_loop3A_212, %parallel_loop3A_213] {strides = array<i32>} : memref<16x768xf32, #tpu.memory_space<vmem>>, vector<1x16xf32>,
          %parallel_loop3A_215 = vector.shape_cast %parallel_loop3A_214 : vector<1x16xf32> to vector<16xf32>
          %parallel_loop3A_216 = vector.shape_cast %parallel_loop3A_211 : vector<16xf32> to vector<1x16xf32>
          tpu.vector_store %arg18[%parallel_loop3A_212, %parallel_loop3A_213], %parallel_loop3A_216 {strides = array<i32>} : memref<16x768xf32, #tpu.memory_space<vmem>>, vector<1x16xf32>,
          %parallel_loop3A_217 = arith.constant 16 : i32
          %parallel_loop3A_218 = arith.addi %parallel_loop3A_195, %parallel_loop3A_217 : i32
          %parallel_loop3A_219 = arith.index_cast %scan3A_86 : i32 to index
          %parallel_loop3A_220 = arith.index_cast %parallel_loop3A_218 : i32 to index
          %parallel_loop3A_221 = tpu.vector_load %arg18[%parallel_loop3A_219, %parallel_loop3A_220] {strides = array<i32>} : memref<16x768xf32, #tpu.memory_space<vmem>>, vector<1x16xf32>,
          %parallel_loop3A_222 = vector.shape_cast %parallel_loop3A_221 : vector<1x16xf32> to vector<16xf32>
          %parallel_loop3A_223 = arith.mulf %parallel_loop3A_222, %mul3A_189 : vector<16xf32>
          %parallel_loop3A_224 = arith.subf %parallel_loop3A_223, %mul3A_190 : vector<16xf32>
          %parallel_loop3A_225 = arith.index_cast %parallel_loop3A_218 : i32 to index
          %parallel_loop3A_226 = tpu.vector_load %arg19[%parallel_loop3A_225] {strides = array<i32>} : memref<768xf32, #tpu.memory_space<vmem>>, vector<16xf32>,
          %parallel_loop3A_227 = vector.shape_cast %parallel_loop3A_226 : vector<16xf32> to vector<16xf32>
          %parallel_loop3A_228 = arith.mulf %parallel_loop3A_224, %parallel_loop3A_227 : vector<16xf32>
          %parallel_loop3A_229 = arith.index_cast %parallel_loop3A_218 : i32 to index
          %parallel_loop3A_230 = tpu.vector_load %arg20[%parallel_loop3A_229] {strides = array<i32>} : memref<768xf32, #tpu.memory_space<vmem>>, vector<16xf32>,
          %parallel_loop3A_231 = vector.shape_cast %parallel_loop3A_230 : vector<16xf32> to vector<16xf32>
          %parallel_loop3A_232 = arith.addf %parallel_loop3A_228, %parallel_loop3A_231 : vector<16xf32>
          %parallel_loop3A_233 = arith.index_cast %scan3A_86 : i32 to index
          %parallel_loop3A_234 = arith.index_cast %parallel_loop3A_218 : i32 to index
          %parallel_loop3A_235 = tpu.vector_load %arg18[%parallel_loop3A_233, %parallel_loop3A_234] {strides = array<i32>} : memref<16x768xf32, #tpu.memory_space<vmem>>, vector<1x16xf32>,
          %parallel_loop3A_236 = vector.shape_cast %parallel_loop3A_235 : vector<1x16xf32> to vector<16xf32>
          %parallel_loop3A_237 = vector.shape_cast %parallel_loop3A_232 : vector<16xf32> to vector<1x16xf32>
          tpu.vector_store %arg18[%parallel_loop3A_233, %parallel_loop3A_234], %parallel_loop3A_237 {strides = array<i32>} : memref<16x768xf32, #tpu.memory_space<vmem>>, vector<1x16xf32>,
          %parallel_loop3A_238 = arith.constant 32 : i32
          %parallel_loop3A_239 = arith.addi %parallel_loop3A_195, %parallel_loop3A_238 : i32
          %parallel_loop3A_240 = arith.index_cast %scan3A_86 : i32 to index
          %parallel_loop3A_241 = arith.index_cast %parallel_loop3A_239 : i32 to index
          %parallel_loop3A_242 = tpu.vector_load %arg18[%parallel_loop3A_240, %parallel_loop3A_241] {strides = array<i32>} : memref<16x768xf32, #tpu.memory_space<vmem>>, vector<1x16xf32>,
          %parallel_loop3A_243 = vector.shape_cast %parallel_loop3A_242 : vector<1x16xf32> to vector<16xf32>
          %parallel_loop3A_244 = arith.mulf %parallel_loop3A_243, %mul3A_189 : vector<16xf32>
          %parallel_loop3A_245 = arith.subf %parallel_loop3A_244, %mul3A_190 : vector<16xf32>
          %parallel_loop3A_246 = arith.index_cast %parallel_loop3A_239 : i32 to index
          %parallel_loop3A_247 = tpu.vector_load %arg19[%parallel_loop3A_246] {strides = array<i32>} : memref<768xf32, #tpu.memory_space<vmem>>, vector<16xf32>,
          %parallel_loop3A_248 = vector.shape_cast %parallel_loop3A_247 : vector<16xf32> to vector<16xf32>
          %parallel_loop3A_249 = arith.mulf %parallel_loop3A_245, %parallel_loop3A_248 : vector<16xf32>
          %parallel_loop3A_250 = arith.index_cast %parallel_loop3A_239 : i32 to index
          %parallel_loop3A_251 = tpu.vector_load %arg20[%parallel_loop3A_250] {strides = array<i32>} : memref<768xf32, #tpu.memory_space<vmem>>, vector<16xf32>,
          %parallel_loop3A_252 = vector.shape_cast %parallel_loop3A_251 : vector<16xf32> to vector<16xf32>
          %parallel_loop3A_253 = arith.addf %parallel_loop3A_249, %parallel_loop3A_252 : vector<16xf32>
          %parallel_loop3A_254 = arith.index_cast %scan3A_86 : i32 to index
          %parallel_loop3A_255 = arith.index_cast %parallel_loop3A_239 : i32 to index
          %parallel_loop3A_256 = tpu.vector_load %arg18[%parallel_loop3A_254, %parallel_loop3A_255] {strides = array<i32>} : memref<16x768xf32, #tpu.memory_space<vmem>>, vector<1x16xf32>,
          %parallel_loop3A_257 = vector.shape_cast %parallel_loop3A_256 : vector<1x16xf32> to vector<16xf32>
          %parallel_loop3A_258 = vector.shape_cast %parallel_loop3A_253 : vector<16xf32> to vector<1x16xf32>
          tpu.vector_store %arg18[%parallel_loop3A_254, %parallel_loop3A_255], %parallel_loop3A_258 {strides = array<i32>} : memref<16x768xf32, #tpu.memory_space<vmem>>, vector<1x16xf32>,
          %parallel_loop3A_259 = arith.constant 48 : i32
          %parallel_loop3A_260 = arith.addi %parallel_loop3A_195, %parallel_loop3A_259 : i32
          %parallel_loop3A_261 = arith.index_cast %scan3A_86 : i32 to index
          %parallel_loop3A_262 = arith.index_cast %parallel_loop3A_260 : i32 to index
          %parallel_loop3A_263 = tpu.vector_load %arg18[%parallel_loop3A_261, %parallel_loop3A_262] {strides = array<i32>} : memref<16x768xf32, #tpu.memory_space<vmem>>, vector<1x16xf32>,
          %parallel_loop3A_264 = vector.shape_cast %parallel_loop3A_263 : vector<1x16xf32> to vector<16xf32>
          %parallel_loop3A_265 = arith.mulf %parallel_loop3A_264, %mul3A_189 : vector<16xf32>
          %parallel_loop3A_266 = arith.subf %parallel_loop3A_265, %mul3A_190 : vector<16xf32>
          %parallel_loop3A_267 = arith.index_cast %parallel_loop3A_260 : i32 to index
          %parallel_loop3A_268 = tpu.vector_load %arg19[%parallel_loop3A_267] {strides = array<i32>} : memref<768xf32, #tpu.memory_space<vmem>>, vector<16xf32>,
          %parallel_loop3A_269 = vector.shape_cast %parallel_loop3A_268 : vector<16xf32> to vector<16xf32>
          %parallel_loop3A_270 = arith.mulf %parallel_loop3A_266, %parallel_loop3A_269 : vector<16xf32>
          %parallel_loop3A_271 = arith.index_cast %parallel_loop3A_260 : i32 to index
          %parallel_loop3A_272 = tpu.vector_load %arg20[%parallel_loop3A_271] {strides = array<i32>} : memref<768xf32, #tpu.memory_space<vmem>>, vector<16xf32>,
          %parallel_loop3A_273 = vector.shape_cast %parallel_loop3A_272 : vector<16xf32> to vector<16xf32>
          %parallel_loop3A_274 = arith.addf %parallel_loop3A_270, %parallel_loop3A_273 : vector<16xf32>
          %parallel_loop3A_275 = arith.index_cast %scan3A_86 : i32 to index
          %parallel_loop3A_276 = arith.index_cast %parallel_loop3A_260 : i32 to index
          %parallel_loop3A_277 = tpu.vector_load %arg18[%parallel_loop3A_275, %parallel_loop3A_276] {strides = array<i32>} : memref<16x768xf32, #tpu.memory_space<vmem>>, vector<1x16xf32>,
          %parallel_loop3A_278 = vector.shape_cast %parallel_loop3A_277 : vector<1x16xf32> to vector<16xf32>
          %parallel_loop3A_279 = vector.shape_cast %parallel_loop3A_274 : vector<16xf32> to vector<1x16xf32>
          tpu.vector_store %arg18[%parallel_loop3A_275, %parallel_loop3A_276], %parallel_loop3A_279 {strides = array<i32>} : memref<16x768xf32, #tpu.memory_space<vmem>>, vector<1x16xf32>,
          %parallel_loop3A_280 = arith.constant 64 : i32
          %parallel_loop3A_281 = arith.addi %parallel_loop3A_195, %parallel_loop3A_280 : i32
          %parallel_loop3A_282 = arith.index_cast %scan3A_86 : i32 to index
          %parallel_loop3A_283 = arith.index_cast %parallel_loop3A_281 : i32 to index
          %parallel_loop3A_284 = tpu.vector_load %arg18[%parallel_loop3A_282, %parallel_loop3A_283] {strides = array<i32>} : memref<16x768xf32, #tpu.memory_space<vmem>>, vector<1x16xf32>,
          %parallel_loop3A_285 = vector.shape_cast %parallel_loop3A_284 : vector<1x16xf32> to vector<16xf32>
          %parallel_loop3A_286 = arith.mulf %parallel_loop3A_285, %mul3A_189 : vector<16xf32>
          %parallel_loop3A_287 = arith.subf %parallel_loop3A_286, %mul3A_190 : vector<16xf32>
          %parallel_loop3A_288 = arith.index_cast %parallel_loop3A_281 : i32 to index
          %parallel_loop3A_289 = tpu.vector_load %arg19[%parallel_loop3A_288] {strides = array<i32>} : memref<768xf32, #tpu.memory_space<vmem>>, vector<16xf32>,
          %parallel_loop3A_290 = vector.shape_cast %parallel_loop3A_289 : vector<16xf32> to vector<16xf32>
          %parallel_loop3A_291 = arith.mulf %parallel_loop3A_287, %parallel_loop3A_290 : vector<16xf32>
          %parallel_loop3A_292 = arith.index_cast %parallel_loop3A_281 : i32 to index
          %parallel_loop3A_293 = tpu.vector_load %arg20[%parallel_loop3A_292] {strides = array<i32>} : memref<768xf32, #tpu.memory_space<vmem>>, vector<16xf32>,
          %parallel_loop3A_294 = vector.shape_cast %parallel_loop3A_293 : vector<16xf32> to vector<16xf32>
          %parallel_loop3A_295 = arith.addf %parallel_loop3A_291, %parallel_loop3A_294 : vector<16xf32>
          %parallel_loop3A_296 = arith.index_cast %scan3A_86 : i32 to index
          %parallel_loop3A_297 = arith.index_cast %parallel_loop3A_281 : i32 to index
          %parallel_loop3A_298 = tpu.vector_load %arg18[%parallel_loop3A_296, %parallel_loop3A_297] {strides = array<i32>} : memref<16x768xf32, #tpu.memory_space<vmem>>, vector<1x16xf32>,
          %parallel_loop3A_299 = vector.shape_cast %parallel_loop3A_298 : vector<1x16xf32> to vector<16xf32>
          %parallel_loop3A_300 = vector.shape_cast %parallel_loop3A_295 : vector<16xf32> to vector<1x16xf32>
          tpu.vector_store %arg18[%parallel_loop3A_296, %parallel_loop3A_297], %parallel_loop3A_300 {strides = array<i32>} : memref<16x768xf32, #tpu.memory_space<vmem>>, vector<1x16xf32>,
          %parallel_loop3A_301 = arith.constant 80 : i32
          %parallel_loop3A_302 = arith.addi %parallel_loop3A_195, %parallel_loop3A_301 : i32
          %parallel_loop3A_303 = arith.index_cast %scan3A_86 : i32 to index
          %parallel_loop3A_304 = arith.index_cast %parallel_loop3A_302 : i32 to index
          %parallel_loop3A_305 = tpu.vector_load %arg18[%parallel_loop3A_303, %parallel_loop3A_304] {strides = array<i32>} : memref<16x768xf32, #tpu.memory_space<vmem>>, vector<1x16xf32>,
          %parallel_loop3A_306 = vector.shape_cast %parallel_loop3A_305 : vector<1x16xf32> to vector<16xf32>
          %parallel_loop3A_307 = arith.mulf %parallel_loop3A_306, %mul3A_189 : vector<16xf32>
          %parallel_loop3A_308 = arith.subf %parallel_loop3A_307, %mul3A_190 : vector<16xf32>
          %parallel_loop3A_309 = arith.index_cast %parallel_loop3A_302 : i32 to index
          %parallel_loop3A_310 = tpu.vector_load %arg19[%parallel_loop3A_309] {strides = array<i32>} : memref<768xf32, #tpu.memory_space<vmem>>, vector<16xf32>,
          %parallel_loop3A_311 = vector.shape_cast %parallel_loop3A_310 : vector<16xf32> to vector<16xf32>
          %parallel_loop3A_312 = arith.mulf %parallel_loop3A_308, %parallel_loop3A_311 : vector<16xf32>
          %parallel_loop3A_313 = arith.index_cast %parallel_loop3A_302 : i32 to index
          %parallel_loop3A_314 = tpu.vector_load %arg20[%parallel_loop3A_313] {strides = array<i32>} : memref<768xf32, #tpu.memory_space<vmem>>, vector<16xf32>,
          %parallel_loop3A_315 = vector.shape_cast %parallel_loop3A_314 : vector<16xf32> to vector<16xf32>
          %parallel_loop3A_316 = arith.addf %parallel_loop3A_312, %parallel_loop3A_315 : vector<16xf32>
          %parallel_loop3A_317 = arith.index_cast %scan3A_86 : i32 to index
          %parallel_loop3A_318 = arith.index_cast %parallel_loop3A_302 : i32 to index
          %parallel_loop3A_319 = tpu.vector_load %arg18[%parallel_loop3A_317, %parallel_loop3A_318] {strides = array<i32>} : memref<16x768xf32, #tpu.memory_space<vmem>>, vector<1x16xf32>,
          %parallel_loop3A_320 = vector.shape_cast %parallel_loop3A_319 : vector<1x16xf32> to vector<16xf32>
          %parallel_loop3A_321 = vector.shape_cast %parallel_loop3A_316 : vector<16xf32> to vector<1x16xf32>
          tpu.vector_store %arg18[%parallel_loop3A_317, %parallel_loop3A_318], %parallel_loop3A_321 {strides = array<i32>} : memref<16x768xf32, #tpu.memory_space<vmem>>, vector<1x16xf32>,
          %parallel_loop3A_322 = arith.constant 96 : i32
          %parallel_loop3A_323 = arith.addi %parallel_loop3A_195, %parallel_loop3A_322 : i32
          %parallel_loop3A_324 = arith.index_cast %scan3A_86 : i32 to index
          %parallel_loop3A_325 = arith.index_cast %parallel_loop3A_323 : i32 to index
          %parallel_loop3A_326 = tpu.vector_load %arg18[%parallel_loop3A_324, %parallel_loop3A_325] {strides = array<i32>} : memref<16x768xf32, #tpu.memory_space<vmem>>, vector<1x16xf32>,
          %parallel_loop3A_327 = vector.shape_cast %parallel_loop3A_326 : vector<1x16xf32> to vector<16xf32>
          %parallel_loop3A_328 = arith.mulf %parallel_loop3A_327, %mul3A_189 : vector<16xf32>
          %parallel_loop3A_329 = arith.subf %parallel_loop3A_328, %mul3A_190 : vector<16xf32>
          %parallel_loop3A_330 = arith.index_cast %parallel_loop3A_323 : i32 to index
          %parallel_loop3A_331 = tpu.vector_load %arg19[%parallel_loop3A_330] {strides = array<i32>} : memref<768xf32, #tpu.memory_space<vmem>>, vector<16xf32>,
          %parallel_loop3A_332 = vector.shape_cast %parallel_loop3A_331 : vector<16xf32> to vector<16xf32>
          %parallel_loop3A_333 = arith.mulf %parallel_loop3A_329, %parallel_loop3A_332 : vector<16xf32>
          %parallel_loop3A_334 = arith.index_cast %parallel_loop3A_323 : i32 to index
          %parallel_loop3A_335 = tpu.vector_load %arg20[%parallel_loop3A_334] {strides = array<i32>} : memref<768xf32, #tpu.memory_space<vmem>>, vector<16xf32>,
          %parallel_loop3A_336 = vector.shape_cast %parallel_loop3A_335 : vector<16xf32> to vector<16xf32>
          %parallel_loop3A_337 = arith.addf %parallel_loop3A_333, %parallel_loop3A_336 : vector<16xf32>
          %parallel_loop3A_338 = arith.index_cast %scan3A_86 : i32 to index
          %parallel_loop3A_339 = arith.index_cast %parallel_loop3A_323 : i32 to index
          %parallel_loop3A_340 = tpu.vector_load %arg18[%parallel_loop3A_338, %parallel_loop3A_339] {strides = array<i32>} : memref<16x768xf32, #tpu.memory_space<vmem>>, vector<1x16xf32>,
          %parallel_loop3A_341 = vector.shape_cast %parallel_loop3A_340 : vector<1x16xf32> to vector<16xf32>
          %parallel_loop3A_342 = vector.shape_cast %parallel_loop3A_337 : vector<16xf32> to vector<1x16xf32>
          tpu.vector_store %arg18[%parallel_loop3A_338, %parallel_loop3A_339], %parallel_loop3A_342 {strides = array<i32>} : memref<16x768xf32, #tpu.memory_space<vmem>>, vector<1x16xf32>,
          %parallel_loop3A_343 = arith.constant 112 : i32
          %parallel_loop3A_344 = arith.addi %parallel_loop3A_195, %parallel_loop3A_343 : i32
          %parallel_loop3A_345 = arith.index_cast %scan3A_86 : i32 to index
          %parallel_loop3A_346 = arith.index_cast %parallel_loop3A_344 : i32 to index
          %parallel_loop3A_347 = tpu.vector_load %arg18[%parallel_loop3A_345, %parallel_loop3A_346] {strides = array<i32>} : memref<16x768xf32, #tpu.memory_space<vmem>>, vector<1x16xf32>,
          %parallel_loop3A_348 = vector.shape_cast %parallel_loop3A_347 : vector<1x16xf32> to vector<16xf32>
          %parallel_loop3A_349 = arith.mulf %parallel_loop3A_348, %mul3A_189 : vector<16xf32>
          %parallel_loop3A_350 = arith.subf %parallel_loop3A_349, %mul3A_190 : vector<16xf32>
          %parallel_loop3A_351 = arith.index_cast %parallel_loop3A_344 : i32 to index
          %parallel_loop3A_352 = tpu.vector_load %arg19[%parallel_loop3A_351] {strides = array<i32>} : memref<768xf32, #tpu.memory_space<vmem>>, vector<16xf32>,
          %parallel_loop3A_353 = vector.shape_cast %parallel_loop3A_352 : vector<16xf32> to vector<16xf32>
          %parallel_loop3A_354 = arith.mulf %parallel_loop3A_350, %parallel_loop3A_353 : vector<16xf32>
          %parallel_loop3A_355 = arith.index_cast %parallel_loop3A_344 : i32 to index
          %parallel_loop3A_356 = tpu.vector_load %arg20[%parallel_loop3A_355] {strides = array<i32>} : memref<768xf32, #tpu.memory_space<vmem>>, vector<16xf32>,
          %parallel_loop3A_357 = vector.shape_cast %parallel_loop3A_356 : vector<16xf32> to vector<16xf32>
          %parallel_loop3A_358 = arith.addf %parallel_loop3A_354, %parallel_loop3A_357 : vector<16xf32>
          %parallel_loop3A_359 = arith.index_cast %scan3A_86 : i32 to index
          %parallel_loop3A_360 = arith.index_cast %parallel_loop3A_344 : i32 to index
          %parallel_loop3A_361 = tpu.vector_load %arg18[%parallel_loop3A_359, %parallel_loop3A_360] {strides = array<i32>} : memref<16x768xf32, #tpu.memory_space<vmem>>, vector<1x16xf32>,
          %parallel_loop3A_362 = vector.shape_cast %parallel_loop3A_361 : vector<1x16xf32> to vector<16xf32>
          %parallel_loop3A_363 = vector.shape_cast %parallel_loop3A_358 : vector<16xf32> to vector<1x16xf32>
          tpu.vector_store %arg18[%parallel_loop3A_359, %parallel_loop3A_360], %parallel_loop3A_363 {strides = array<i32>} : memref<16x768xf32, #tpu.memory_space<vmem>>, vector<1x16xf32>,
        } {sc.loop_unroll_factor = 2 : i64, sc.parallel_access}
        %scan3A_194 = arith.constant 0 : i32
        scf.yield %scan3A_194 : i32
      }
      %scan3A_80 = arith.constant 16 : i32
      %dma_start3A_81 = arith.constant 0 : i32
      %dma_start3A_82 = tpu.memref_slice %arg8[%add3A_33, %dma_start3A_81] : memref<16384x768xf32, #tpu.memory_space<hbm>> -> memref<16x768xf32, #tpu.memory_space<hbm>>
      %dma_start3A_83 = arith.constant 0 : i32
      %dma_start3A_84 = tpu.memref_slice %arg8[%add3A_33, %dma_start3A_83] : memref<16384x768xf32, #tpu.memory_space<hbm>> -> memref<16x768xf32, #tpu.memory_space<hbm>>
      tpu.enqueue_dma source(%arg18 : memref<16x768xf32, #tpu.memory_space<vmem>>) target(%dma_start3A_84 : memref<16x768xf32, #tpu.memory_space<hbm>>) target_semaphore(%arg26 : memref<!tpu.dma_semaphore, #tpu.memory_space<semaphore_mem>>)
      %scan3A_85 = arith.constant 0 : i32
      scf.yield %scan3A_85 : i32
    }
    %scan3A_13 = arith.constant 16 : i32
    %add3A_14 = arith.constant 480 : i32
    %add3A_15 = arith.addi %mul3A_2, %add3A_14 : i32
    %dma_wait3A = arith.constant 0 : i32
    %dma_wait3A_16 = tpu.memref_slice %arg8[%add3A_15, %dma_wait3A] : memref<16384x768xf32, #tpu.memory_space<hbm>> -> memref<16x768xf32, #tpu.memory_space<hbm>>
    %dma_wait3A_17 = arith.constant 0 : i32
    %dma_wait3A_18 = tpu.memref_slice %arg8[%add3A_15, %dma_wait3A_17] : memref<16384x768xf32, #tpu.memory_space<hbm>> -> memref<16x768xf32, #tpu.memory_space<hbm>>
    tpu.wait_dma2 semaphore(%arg25 : memref<!tpu.dma_semaphore, #tpu.memory_space<semaphore_mem>>) src(%arg17 : memref<16x768xf32, #tpu.memory_space<vmem>>) dst(%dma_wait3A_18 : memref<16x768xf32, #tpu.memory_space<hbm>>)
    %add3A_19 = arith.constant 16 : i32
    %add3A_20 = arith.addi %add3A_15, %add3A_19 : i32
    %dma_wait3A_21 = arith.constant 0 : i32
    %dma_wait3A_22 = tpu.memref_slice %arg8[%add3A_20, %dma_wait3A_21] : memref<16384x768xf32, #tpu.memory_space<hbm>> -> memref<16x768xf32, #tpu.memory_space<hbm>>
    %dma_wait3A_23 = arith.constant 0 : i32
    %dma_wait3A_24 = tpu.memref_slice %arg8[%add3A_20, %dma_wait3A_23] : memref<16384x768xf32, #tpu.memory_space<hbm>> -> memref<16x768xf32, #tpu.memory_space<hbm>>
    tpu.wait_dma2 semaphore(%arg26 : memref<!tpu.dma_semaphore, #tpu.memory_space<semaphore_mem>>) src(%arg18 : memref<16x768xf32, #tpu.memory_space<vmem>>) dst(%dma_wait3A_24 : memref<16x768xf32, #tpu.memory_space<hbm>>)
    return
  }
}

</mosaic_0001>

<sc_bundles>
// kernel: kernel.3.cloned.1.call-start
scs
__scs_entry_jumppad:
0x0: {  	(pc) =	sbr.rel $0x88, $3  }
0x1: {  	(tag) =	ssettag $0x0;
	lr =	simm.s32 $0x1  }
0x2: {  	[smem:$0x3F9B] =	sst lr;
	_ =	strace $0xD0000000  }
0x3: {  	_ = 	snop  }
0x4: {  	_ = 	snop  }
0x5: {  	_ = 	snop  }
0x6: {  	_ = 	snop  }
0x7: {  	_ = 	snop  }
__scs_overlays_trampoline_lowered:
0x8: {  	[smem:$0x3FAA] =	sst s0  }
0x9: {  	[smem:$0x3FAB] =	sst s1  }
0xa: {  	[smem:$0x3FAC] =	sst s2  }
0xb: {  	[smem:$0x3FAD] =	sst s3  }
0xc: {  	[smem:$0x3FAE] =	sst s4  }
0xd: {  	[smem:$0x3FAF] =	sst s5  }
0xe: {  	[smem:$0x3FB0] =	sst s6  }
0xf: {  	[smem:$0x3FB1] =	sst s7  }
0x10: {  	[smem:$0x3FB2] =	sst s8  }
0x11: {  	[smem:$0x3FB3] =	sst s9;
	s0 =	simm.s32 @!p0 $0x0  }
0x12: {  	s1 =	sld [smem:$0x3F99];
	s0 =	simm.s32 @p0 $0x1  }
0x13: {  	[smem:$0x3FB4] =	sst s0;
	s0 =	simm.s32 @!p1 $0x0  }
0x14: {  	s2 =	sld [smem:$0x3F98];
	s0 =	simm.s32 @p1 $0x1  }
0x15: {  	[smem:$0x3FB5] =	sst s0;
	s0 =	simm.s32 @!p2 $0x0  }
0x16: {  	s3 =	sld [smem:$0x3FDB];
	s0 =	simm.s32 @p2 $0x1  }
0x17: {  	s4 =	simm.s32 $0x1BF5;
	[smem:$0x3FB7] =	sst s0  }
0x18: {  	s0 =	sld [smem:$0x3F9A];
	_ =	swait.ge [sflag:s4], $0x0  }
0x19: {  	s7 =	sld [smem:$0x3F9B]  }
0x1a: {  	s8 =	sadd.s32 $0xFFFFE003, lr  }
0x1b: {  	s9 =	sadd.s32 $0xFFFFFEF7, lr;
	s5 =	simm.s32 $0xFFFFFFFF;
	p2 =	slt.u32 s8, $0xFFFFF086  }
0x1c: {  	p1 =	slt.u32 s9, $0xF7A;
	s5 =	simm.s32 @!p2 $0x0  }
0x1d: {  	s5 =	simm.s32 @p1 $0x1;
	p0 =	seq.s32 s7, s2  }
0x1e: {  	s7 =	smul.u32 @!p0 $0xF7A, s2;
	p2 =	seq.s32 @!p0 s5, $0x0  }
0x1f: {  	s9 =	smul.u32 $0xF7A, s1;
	s8 =	simm.s32 @!p0 $0x1BF5;
	p2 =	por !p2, p0  }
0x20: {  	[sflag:s8] =	ssyncset.s32 @!p0 $0xFFFFF086;
	s6 =	sadd.s32 @!p0 s3, s7;
	s7 =	simm.s32 @!p0 $0x108  }
0x21: {  	s3 =	sadd.s32 s3, s9;
	s6 =	sadd.s32 @!p0 $0x88, s6;
	s7 =	simm.s32 @p2 $0x1082  }
0x22: {  	[simem:s7], [sflag:s8] =	dma.local @!p0 [hbm:s6], $0xF7A  }
0x23: {  	s9 =	sor.u32 $0xD0000000, s2;
	s6 =	simm.s32 $0x108;
	_ =	swait.ge @!p0 [sflag:s8], $0x0  }
0x24: {  	s3 =	sadd.s32 $0x88, s3;
	s6 =	simm.s32 @!p1 $0x1082;
	[sflag:s4] =	ssyncset.s32 $0xFFFFF086  }
0x25: {  	[simem:s6], [sflag:s4] =	dma.local [hbm:s3], $0xF7A  }
0x26: {  	[smem:$0x3F9B] =	sst s1;
	(tag) =	ssettag s2;
	_ =	strace s9  }
0x27: {  	s1 =	sld [smem:$0x3FAB]  }
0x28: {  	s2 =	sld [smem:$0x3FAC]  }
0x29: {  	s4 =	sld [smem:$0x3FAE]  }
0x2a: {  	p0 =	seq.s32 s5, $0x0;
	s5 =	sld [smem:$0x3FAF]  }
0x2b: {  	s6 =	sld [smem:$0x3FB0]  }
0x2c: {  	s7 =	sld [smem:$0x3FB1]  }
0x2d: {  	s3 =	simm.s32 $0x108;
	s8 =	sld [smem:$0x3FB2]  }
0x2e: {  	s3 =	simm.s32 @!p0 $0x1082;
	s9 =	sld [smem:$0x3FB3]  }
0x2f: {  	lr =	sadd.s32 s0, s3;
	s0 =	sld [smem:$0x3FAA]  }
0x30: {  	s3 =	sld [smem:$0x3FAD]  }
0x31: {  	[smem:$0x3FB6] =	sst s10  }
0x32: {  	s10 =	sld [smem:$0x3FB4];
	_ =	sdelay $0x3  }
0x33: {  	p0 =	seq.s32 s10, $0x1;
	s10 =	sld [smem:$0x3FB6];
	_ =	sdelay $0x3  }
0x34: {  	[smem:$0x3FB6] =	sst s10  }
0x35: {  	s10 =	sld [smem:$0x3FB5];
	_ =	sdelay $0x3  }
0x36: {  	p1 =	seq.s32 s10, $0x1;
	s10 =	sld [smem:$0x3FB6];
	_ =	sdelay $0x3  }
0x37: {  	[smem:$0x3FB6] =	sst s10  }
0x38: {  	s10 =	sld [smem:$0x3FB7]  }
0x39: {  	_ = 	snop;
	(pc) =	sbr.ind lr, $3  }
0x3a: {  	_ = 	snop  }
0x3b: {  	_ = 	snop  }
0x3c: {  	p2 =	seq.s32 s10, $0x1;
	s10 =	sld [smem:$0x3FB6]  }
0x3d: {  	_ =	shalt  }
0x3e: {  	_ =	shalt  }
0x3f: {  	_ =	shalt  }
0x40: {  	_ =	shalt  }
0x41: {  	_ =	shalt  }
0x42: {  	_ =	shalt  }
0x43: {  	_ =	shalt  }
0x44: {  	_ =	shalt  }
0x45: {  	_ =	shalt  }
0x46: {  	_ =	shalt  }
0x47: {  	_ =	shalt  }
0x48: {  	_ =	shalt  }
0x49: {  	_ =	shalt  }
0x4a: {  	_ =	shalt  }
0x4b: {  	_ =	shalt  }
0x4c: {  	_ =	shalt  }
0x4d: {  	_ =	shalt  }
0x4e: {  	_ =	shalt  }
0x4f: {  	_ =	shalt  }
0x50: {  	_ =	shalt  }
0x51: {  	_ =	shalt  }
0x52: {  	_ =	shalt  }
0x53: {  	_ =	shalt  }
0x54: {  	_ =	shalt  }
0x55: {  	_ =	shalt  }
0x56: {  	_ =	shalt  }
0x57: {  	_ =	shalt  }
0x58: {  	_ =	shalt  }
0x59: {  	_ =	shalt  }
0x5a: {  	_ =	shalt  }
0x5b: {  	_ =	shalt  }
0x5c: {  	_ =	shalt  }
0x5d: {  	_ =	shalt  }
0x5e: {  	_ =	shalt  }
0x5f: {  	_ =	shalt  }
0x60: {  	_ =	shalt  }
0x61: {  	_ =	shalt  }
0x62: {  	_ =	shalt  }
0x63: {  	_ =	shalt  }
0x64: {  	_ =	shalt  }
0x65: {  	_ =	shalt  }
0x66: {  	_ =	shalt  }
0x67: {  	_ =	shalt  }
0x68: {  	_ =	shalt  }
0x69: {  	_ =	shalt  }
0x6a: {  	_ =	shalt  }
0x6b: {  	_ =	shalt  }
0x6c: {  	_ =	shalt  }
0x6d: {  	_ =	shalt  }
0x6e: {  	_ =	shalt  }
0x6f: {  	_ =	shalt  }
0x70: {  	_ =	shalt  }
0x71: {  	_ =	shalt  }
0x72: {  	_ =	shalt  }
0x73: {  	_ =	shalt  }
0x74: {  	_ =	shalt  }
0x75: {  	_ =	shalt  }
0x76: {  	_ =	shalt  }
0x77: {  	_ =	shalt  }
0x78: {  	_ =	shalt  }
0x79: {  	_ =	shalt  }
0x7a: {  	_ =	shalt  }
0x7b: {  	_ =	shalt  }
0x7c: {  	_ =	shalt  }
0x7d: {  	_ =	shalt  }
0x7e: {  	_ =	shalt  }
0x7f: {  	_ =	shalt  }
0x80: {  	_ =	shalt  }
0x81: {  	_ =	shalt  }
0x82: {  	_ =	shalt  }
0x83: {  	_ =	shalt  }
0x84: {  	_ =	shalt  }
0x85: {  	_ =	shalt  }
0x86: {  	_ =	shalt  }
0x87: {  	_ =	shalt  }
.Lfunc_end0:
.L_simem_size_0:
called_computation_lowered:
.L_overlay_start_0:
0x88: {  	s2 =	sld [smem:$0x3FD9]  }
0x89: {  	s3 =	sld [smem:$0x3FFE];
	_ =	sdelay $0x1  }
0x8a: {  	s1 =	srdreg.scid  }
0x8b: {  	s0 =	sand.u32 $0x1, s1  }
0x8c: {  	s18 =	sshll.u32 s0, $0xA;
	s2 =	sadd.s32 s3, s2  }
0x8d: {  	s2 =	sadd.s32 s2, s18  }
0x8e: {  	[smem:$0x3FC2] =	sst s2  }
0x8f: {  	_ = 	snop  }
0x90: {  	s2 =	sld [smem:$0x3FC9]  }
0x91: {  	s19 =	sld [smem:$0x3FC8]  }
0x92: {  	s4 =	sld [smem:$0x3FC7]  }
0x93: {  	s5 =	sld [smem:$0x3FC6]  }
0x94: {  	s6 =	sld [smem:$0x3FC5]  }
0x95: {  	s7 =	sld [smem:$0x3FC4]  }
0x96: {  	s8 =	sld [smem:$0x3FD0];
	(tm) =	ssettm $0x1  }
0x97: {  	s9 =	sld [smem:$0x3FFB];
	_ =	sdelay $0x3  }
0x98: {  	_ =	strace s9  }
0x99: {  	s9 =	sld [smem:$0x3FFC];
	_ =	sdelay $0x3  }
0x9a: {  	_ =	strace s9  }
0x9b: {  	s9 =	sld [smem:$0x3FFD];
	_ =	sdelay $0x3  }
0x9c: {  	_ =	strace s9  }
0x9d: {  	_ =	strace $0x8FFFFFFF  }
0x9e: {  	s20 =	sld [smem:$0x3FDB];
	_ =	sdelay $0x1  }
0x9f: {  	s10 =	simm.s32 $_scs_section_size  }
0xa0: {  	s11 =	simm.s32 $_size__tile_overlayer_lowered;
	s12 =	simm.s32 $_tile_overlayer_lowered  }
0xa1: {  	s23 =	simm.s32 $0x1BFF;
	s22 =	sshll.u32 s12, $0x1;
	s9 =	sadd.s32 s10, s20  }
0xa2: {  	s13 =	simm.s32 $0x0;
	s21 =	sshll.u32 s11, $0x1;
	s11 =	sadd.s32 s22, s9  }
0xa3: {  	[timem:s13], [sflag:s23] =	dma.local [hbm:s11], s21  }
0xa4: {  	_ =	swait.ge [sflag:s23], s21  }
0xa5: {  	s10 =	ssub.s32 $0x0, s21;
	[sflag:s23] =	ssyncset.done $0x0  }
0xa6: {  	[sflag:s23] =	ssyncadd.s32 s10;
	_ =	sdelay $0x1  }
0xa7: {  	s24 =	simm.s32 $0x1B8B  }
0xa8: {  	_ =	swait.ge [sflag:s24], $0x1  }
0xa9: {  	[sflag:s24] =	ssyncset.done $0x0  }
0xaa: {  	s25 =	simm.s32 $0x1B8E;
	[sflag:s24] =	ssyncadd.s32 $0xFFFFFFFF  }
0xab: {  	s26 =	simm.s32 $execute0_lowered;
	[smem:$0x3FD2] =	sst s25  }
0xac: {  	s10 =	sshll.u32 s26, $0x1;
	_ =	strace $0x80000046;
	[dreg:$0x1] =	wrdreg $0xFFFFFFFF  }
0xad: {  	s28 =	simm.s32 $_size_execute0_lowered;
	s9 =	sadd.s32 s9, s10;
	[dreg:$0x0] =	wrdreg $0x0  }
0xae: {  	s10 =	sshll.u32 s28, $0x1;
	[dreg:$0x2] =	wrdreg s9  }
0xaf: {  	[dreg:$0x3] =	wrdreg s10  }
0xb0: {  	[dreg:$0x4] =	wrdreg $0xC0  }
0xb1: {  	_ =	task [dreg:s13], $0x5FFFF  }
0xb2: {  	[dreg:$0x1] =	wrdreg $0xFFFFFFFF  }
0xb3: {  	[dreg:$0x0] =	wrdreg $0x60  }
0xb4: {  	[dreg:$0x2] =	wrdreg s2  }
0xb5: {  	[dreg:$0x3] =	wrdreg s19  }
0xb6: {  	[dreg:$0x4] =	wrdreg s4  }
0xb7: {  	[dreg:$0x5] =	wrdreg s5  }
0xb8: {  	[dreg:$0x6] =	wrdreg s6  }
0xb9: {  	[dreg:$0x7] =	wrdreg s7  }
0xba: {  	[dreg:$0x8] =	wrdreg s8  }
0xbb: {  	[dreg:$0x9] =	wrdreg $0x9  }
0xbc: {  	_ =	task.clear_ibuf [dreg:s13], $0xAFFFF;
	_ =	strace $0x90000046  }
0xbd: {  	s29 =	simm.s32 $0x9;
	_ =	strace $0x80000048  }
0xbe: {  	_ =	swait.ge [sflag:s29], $0x1  }
0xbf: {  	[sflag:s29] =	ssyncadd.s32 $0xFFFFFFFF  }
0xc0: {  	_ =	strace $0x90000048  }
0xc1: {  	_ =	sfence  }
0xc2: {  	s30 =	sld [smem:$0x0];
	_ =	sdelay $0x2  }
0xc3: {  	s31 =	sshll.u32 s1, $0xD;
	s1 =	sshrl.u32 s1, $0x2  }
0xc4: {  	s3 =	sand.u32 $0x4000, s31;
	s1 =	sadd.s32 s1, s30  }
0xc5: {  	s0 =	sor.u32 s3, s0;
	s1 =	sshll.u32 s1, $0x11  }
0xc6: {  	s0 =	sor.u32 s1, s0  }
0xc7: {  	s0 =	sadd.s32 $0x8F2B, s0  }
0xc8: {  	[sflag:s0] =	ssyncadd.remote.s32 $0x1  }
0xc9: {  	_ =	sfence.sel $0xFFFF  }
0xca: {  	[dreg:$0x0] =	wrdreg $0xFFFFFFFF;
	(pc) =	sbr.abs _section_cstart, $3  }
0xcb: {  	[dreg:$0x1] =	wrdreg $0xFFFFFFFF  }
0xcc: {  	_ =	task.clear_ibuf [dreg:s13], $0x2FFFF;
	_ =	strace $0x9FFFFFFF  }
0xcd: {  	(tm) =	ssettm $0x7FFFFFFF  }
tec
execute0_lowered:
.L_overlay_start_1:
0x0: {  	(tag) =	ssettag $0x1  }
0x1: {  	s0 =	rddreg [dreg:$0x0]  }
0x2: {  	s1 =	rddreg [dreg:$0x1]  }
0x3: {  	s2 =	rddreg [dreg:$0x2];
	v0 =	vimm.s32 $0x76543210;
	v1 =	vimm.s32 $0xBA98FEDC  }
0x4: {  	s3 =	rddreg [dreg:$0x3];
	v2 =	vimm.s32 $0xFEDCBA98;
	v3 =	vimm.s32 $0x32107654;
	v4 =	vimm.s32 $0xDCFE98BA  }
0x5: {  	s4 =	srdreg.scid;
	s8 =	rddreg [dreg:$0x6];
	v5 =	vimm.s32 $0x54761032;
	v6 =	vimm.s32 $0xEFCDAB89;
	v7 =	vimm.s32 $0x67452301  }
0x6: {  	s5 =	stileid.u32;
	s9 =	simm.s32 $0x0;
	s19 =	simm.s32 $0x7;
	vm0 =	vmmov $0xffff;
	v1 =	vunpack.c.l.s4.s8 v1;
	v3 =	vunpack.c.l.s4.s8 v3  }
0x7: {  	s12 =	simm.s32 $0x3;
	s17 =	simm.s32 $0x4;
	s7 =	simm.s32 $0xF200;
	v0 =	vunpack.c.l.s4.s8 v0;
	v4 =	vunpack.c.l.s4.s8 v4;
	v5 =	vunpack.c.l.s4.s8 v5  }
0x8: {  	s18 =	simm.s32 $0x6;
	s11 =	simm.s32 $0x0;
	s4 =	sand.u32 $0x1, s4;
	v2 =	vunpack.c.l.s4.s8 v2;
	v1 =	vunpack.c.0.s8.s32 v1;
	v3 =	vunpack.c.0.s8.s32 v3  }
0x9: {  	s5 =	sshll.u32 s5, $0xA;
	[smem:$0x7FF] =	sst s9;
	v6 =	vunpack.c.l.s4.s8 v6;
	v7 =	vunpack.c.l.s4.s8 v7;
	s6 =	sshll.u32 s4, $0x9;
	v4 =	vunpack.c.0.s8.s32 v4  }
0xa: {  	s13 =	sadd.s32 $0x100, s2;
	s14 =	sadd.s32 $0x200, s2;
	s10 =	sor.u32 s6, s5;
	v5 =	vunpack.c.0.s8.s32 v5;
	v2 =	vunpack.c.0.s8.s32 v2;
	v8 =	vcombine.low v3, v1  }
0xb: {  	s15 =	sadd.s32 $0x100, s3;
	s4 =	ssub.s32 $0x2, s4;
	s6 =	sshrl.u32 s10, $0x3;
	v1 =	vunpack.c.0.s8.s32 v6;
	v3 =	vunpack.c.0.s8.s32 v7;
	v6 =	vlaneseq.u32  }
0xc: {  	_ =	strace $0x80000047;
	s29 =	sshrl.u32 s4, $0x1;
	s30 =	sadd.s32 s0, s6;
	v5 =	vcombine.low v5, v4;
	v7 =	vunpack.c.0.s8.s32 v0;
	v4 =	vshrl.u32 v6, $0x3  }
0xd: {  	s4 =	ssub.s32 s4, s29;
	s31 =	sadd.s32 s1, s6;
	[dreg:$0x8] =	wrdreg s30;
	v0 =	vand.u32 $0x7, v6;
	v9 =	vcombine.low v3, v1;
	v1 =	vmul.u32 $0x8, v4  }
0xe: {  	s16 =	sadd.s32 $0x200, s3;
	s4 =	smax.u32 s4, $0x1;
	[dreg:$0x9] =	wrdreg s31;
	v3 =	vand.u32 $0xF, v2;
	v2 =	vor.u32 $0x8, v6;
	v4 =	vand.u32 $0xF, v8  }
0xf: {  	s5 =	simm.s32 $0x1;
	s6 =	simm.s32 $0x2;
	[dreg:$0xa] =	wrdreg s4;
	v5 =	vand.u32 $0xF, v5;
	v3 =	vcombine.low v3, v7;
	v6 =	vand.u32 $0xF, v9  }
.LBB2_1:
0x10: {  	[dreg:$0xb] =	wrdreg s11  }
0x11: {  	s4 =	rddreg [dreg:$0x4];
	s25 =	simm.s32 $0x12200  }
0x12: {  	[tilespmem:s25], [sflag:$0x7] =	stream.linear.gather [hbm4b:s4+s9], $0x300, $0x38;
	[tilespmem:$0x12800] =	vst v63  }
0x13: {  	_ =	swait.ge [sflag:s19], $0x300  }
0x14: {  	[sflag:s19] =	ssyncset.done $0x0  }
0x15: {  	[sflag:s19] =	ssyncadd.s32 $0xFFFFFD00  }
0x16: {  	s28 =	simm.s32 $0x12500;
	s26 =	rddreg [dreg:$0x5]  }
0x17: {  	[tilespmem:s28], [sflag:$0x7] =	stream.linear.gather [hbm4b:s26+s9], $0x300, $0x38;
	[tilespmem:$0x12800] =	vst v63  }
0x18: {  	_ =	swait.ge [sflag:s19], $0x300  }
0x19: {  	[sflag:s19] =	ssyncset.done $0x0  }
0x1a: {  	s29 =	rddreg [dreg:$0x8];
	[sflag:s19] =	ssyncadd.s32 $0xFFFFFD00  }
0x1b: {  	[tilespmem:s9], [sflag:$0x7] =	stream.linear.gather [hbm4b:s29+s9], $0x10, $0x38;
	[tilespmem:$0x12800] =	vst v63  }
0x1c: {  	_ =	swait.ge [sflag:s19], $0x10  }
0x1d: {  	[sflag:s19] =	ssyncset.done $0x0  }
0x1e: {  	s31 =	simm.s32 $0x80;
	s30 =	rddreg [dreg:$0x9];
	[sflag:s19] =	ssyncadd.s32 $0xFFFFFFF0  }
0x1f: {  	[tilespmem:s31], [sflag:$0x7] =	stream.linear.gather [hbm4b:s30+s9], $0x10, $0x38;
	[tilespmem:$0x12800] =	vst v63  }
0x20: {  	_ =	swait.ge [sflag:s19], $0x10  }
0x21: {  	[sflag:s19] =	ssyncset.done $0x0  }
0x22: {  	[sflag:s19] =	ssyncadd.s32 $0xFFFFFFF0  }
0x23: {  	v7 =	vld [tilespmem:$0x0];
	_ =	sdelay $0x4  }
0x24: {  	v8 =	vshrl.u32 v7, $0x3  }
0x25: {  	v8 =	vmul.u32 $0x30, v8  }
0x26: {  	v7 =	vand.u32 $0x7, v7  }
0x27: {  	v7 =	vor.u32 v7, v8  }
0x28: {  	v8 =	vperm.xlane v7, v0;
	_ =	sdelay $0x1  }
0x29: {  	v8 =	vadd.s32 v1, v8;
	_ =	sdelay $0x3  }
0x2a: {  	s11 =	simm.s32 $0x100;
	v7 =	vperm.xlane v7, v2  }
0x2b: {  	[tilespmem:s11], [sflag:$0x1] =	stream.indirect_vreg.gather [hbm4b:s2+s9], $0x80, v8, vm0, $0xb8;
	[tilespmem:$0x12800] =	vst v63  }
0x2c: {  	s20 =	simm.s32 $0x900;
	v7 =	vadd.s32 v1, v7  }
0x2d: {  	[tilespmem:s20], [sflag:$0x1] =	stream.indirect_vreg.gather [hbm4b:s13+s9], $0x80, v8, vm0, $0xb8;
	[tilespmem:$0x12800] =	vst v63  }
0x2e: {  	s21 =	simm.s32 $0x1100  }
0x2f: {  	[tilespmem:s21], [sflag:$0x1] =	stream.indirect_vreg.gather [hbm4b:s14+s9], $0x80, v8, vm0, $0xb8;
	[tilespmem:$0x12800] =	vst v63  }
0x30: {  	s22 =	simm.s32 $0x1900  }
0x31: {  	[tilespmem:s22], [sflag:$0x1] =	stream.indirect_vreg.gather [hbm4b:s2+s9], $0x80, v7, vm0, $0xb8;
	[tilespmem:$0x12800] =	vst v63  }
0x32: {  	s23 =	simm.s32 $0x2100  }
0x33: {  	[tilespmem:s23], [sflag:$0x1] =	stream.indirect_vreg.gather [hbm4b:s13+s9], $0x80, v7, vm0, $0xb8;
	[tilespmem:$0x12800] =	vst v63  }
0x34: {  	s24 =	simm.s32 $0x2900  }
0x35: {  	[tilespmem:s24], [sflag:$0x1] =	stream.indirect_vreg.gather [hbm4b:s14+s9], $0x80, v7, vm0, $0xb8;
	[tilespmem:$0x12800] =	vst v63  }
0x36: {  	v7 =	vld [tilespmem:$0x80];
	_ =	sdelay $0x4  }
0x37: {  	v8 =	vshrl.u32 v7, $0x3  }
0x38: {  	v8 =	vmul.u32 $0x30, v8  }
0x39: {  	v7 =	vand.u32 $0x7, v7  }
0x3a: {  	v7 =	vor.u32 v7, v8  }
0x3b: {  	v8 =	vperm.xlane v7, v0;
	_ =	sdelay $0x1  }
0x3c: {  	v8 =	vadd.s32 v1, v8;
	_ =	sdelay $0x3  }
0x3d: {  	s25 =	simm.s32 $0x3100;
	v7 =	vperm.xlane v7, v2  }
0x3e: {  	[tilespmem:s25], [sflag:$0x2] =	stream.indirect_vreg.gather [hbm4b:s3+s9], $0x80, v8, vm0, $0xb8;
	[tilespmem:$0x12800] =	vst v63  }
0x3f: {  	s26 =	simm.s32 $0x3900;
	v7 =	vadd.s32 v1, v7  }
0x40: {  	[tilespmem:s26], [sflag:$0x2] =	stream.indirect_vreg.gather [hbm4b:s15+s9], $0x80, v8, vm0, $0xb8;
	[tilespmem:$0x12800] =	vst v63  }
0x41: {  	s28 =	simm.s32 $0x4100  }
0x42: {  	[tilespmem:s28], [sflag:$0x2] =	stream.indirect_vreg.gather [hbm4b:s16+s9], $0x80, v8, vm0, $0xb8;
	[tilespmem:$0x12800] =	vst v63  }
0x43: {  	s29 =	simm.s32 $0x4900  }
0x44: {  	[tilespmem:s29], [sflag:$0x2] =	stream.indirect_vreg.gather [hbm4b:s3+s9], $0x80, v7, vm0, $0xb8;
	[tilespmem:$0x12800] =	vst v63  }
0x45: {  	s30 =	simm.s32 $0x5100  }
0x46: {  	[tilespmem:s30], [sflag:$0x2] =	stream.indirect_vreg.gather [hbm4b:s15+s9], $0x80, v7, vm0, $0xb8;
	[tilespmem:$0x12800] =	vst v63  }
0x47: {  	s31 =	simm.s32 $0x5900;
	s20 =	simm.s32 $0x0  }
0x48: {  	[tilespmem:s31], [sflag:$0x2] =	stream.indirect_vreg.gather [hbm4b:s16+s9], $0x80, v7, vm0, $0xb8;
	[tilespmem:$0x12800] =	vst v63  }
.LBB2_2:
0x49: {  	s4 =	sshll.u32 s20, $0x5  }
0x4a: {  	s22 =	sadd.s32 s10, s4  }
0x4b: {  	s23 =	sshrl.u32 s22, $0x3  }
0x4c: {  	s21 =	sor.u32 $0x2, s23  }
0x4d: {  	s11 =	simm.s32 $0x6100;
	s24 =	sadd.s32 s0, s21  }
0x4e: {  	[tilespmem:s11], [sflag:$0x7] =	stream.linear.gather [hbm4b:s24+s9], $0x10, $0x38;
	[tilespmem:$0x12800] =	vst v63  }
0x4f: {  	_ =	swait.ge [sflag:s19], $0x10  }
0x50: {  	[sflag:s19] =	ssyncset.done $0x0  }
0x51: {  	s26 =	simm.s32 $0x6180;
	s25 =	sadd.s32 s1, s21;
	[sflag:s19] =	ssyncadd.s32 $0xFFFFFFF0  }
0x52: {  	[tilespmem:s26], [sflag:$0x7] =	stream.linear.gather [hbm4b:s25+s9], $0x10, $0x38;
	[tilespmem:$0x12800] =	vst v63  }
0x53: {  	_ =	swait.ge [sflag:s19], $0x10  }
0x54: {  	[sflag:s19] =	ssyncset.done $0x0  }
0x55: {  	[sflag:s19] =	ssyncadd.s32 $0xFFFFFFF0  }
0x56: {  	v7 =	vld [tilespmem:$0x6100];
	_ =	sdelay $0x4  }
0x57: {  	v8 =	vshrl.u32 v7, $0x3  }
0x58: {  	v8 =	vmul.u32 $0x30, v8  }
0x59: {  	v7 =	vand.u32 $0x7, v7  }
0x5a: {  	v7 =	vor.u32 v7, v8  }
0x5b: {  	v8 =	vperm.xlane v7, v0;
	_ =	sdelay $0x1  }
0x5c: {  	v8 =	vadd.s32 v1, v8;
	_ =	sdelay $0x3  }
0x5d: {  	s28 =	simm.s32 $0x6200;
	v7 =	vperm.xlane v7, v2  }
0x5e: {  	[tilespmem:s28], [sflag:$0x3] =	stream.indirect_vreg.gather [hbm4b:s2+s9], $0x80, v8, vm0, $0xb8;
	[tilespmem:$0x12800] =	vst v63  }
0x5f: {  	s29 =	simm.s32 $0x6A00;
	v7 =	vadd.s32 v1, v7  }
0x60: {  	[tilespmem:s29], [sflag:$0x3] =	stream.indirect_vreg.gather [hbm4b:s13+s9], $0x80, v8, vm0, $0xb8;
	[tilespmem:$0x12800] =	vst v63  }
0x61: {  	s30 =	simm.s32 $0x7200  }
0x62: {  	[tilespmem:s30], [sflag:$0x3] =	stream.indirect_vreg.gather [hbm4b:s14+s9], $0x80, v8, vm0, $0xb8;
	[tilespmem:$0x12800] =	vst v63  }
0x63: {  	s31 =	simm.s32 $0x7A00  }
0x64: {  	[tilespmem:s31], [sflag:$0x3] =	stream.indirect_vreg.gather [hbm4b:s2+s9], $0x80, v7, vm0, $0xb8;
	[tilespmem:$0x12800] =	vst v63  }
0x65: {  	s11 =	simm.s32 $0x8200  }
0x66: {  	[tilespmem:s11], [sflag:$0x3] =	stream.indirect_vreg.gather [hbm4b:s13+s9], $0x80, v7, vm0, $0xb8;
	[tilespmem:$0x12800] =	vst v63  }
0x67: {  	s24 =	simm.s32 $0x8A00  }
0x68: {  	[tilespmem:s24], [sflag:$0x3] =	stream.indirect_vreg.gather [hbm4b:s14+s9], $0x80, v7, vm0, $0xb8;
	[tilespmem:$0x12800] =	vst v63  }
0x69: {  	v7 =	vld [tilespmem:$0x6180];
	_ =	sdelay $0x4  }
0x6a: {  	v8 =	vshrl.u32 v7, $0x3  }
0x6b: {  	v8 =	vmul.u32 $0x30, v8  }
0x6c: {  	v7 =	vand.u32 $0x7, v7  }
0x6d: {  	v7 =	vor.u32 v7, v8  }
0x6e: {  	v8 =	vperm.xlane v7, v0;
	_ =	sdelay $0x1  }
0x6f: {  	v8 =	vadd.s32 v1, v8;
	_ =	sdelay $0x3  }
0x70: {  	s25 =	simm.s32 $0x9200;
	v7 =	vperm.xlane v7, v2  }
0x71: {  	[tilespmem:s25], [sflag:$0x4] =	stream.indirect_vreg.gather [hbm4b:s3+s9], $0x80, v8, vm0, $0xb8;
	[tilespmem:$0x12800] =	vst v63  }
0x72: {  	s26 =	simm.s32 $0x9A00;
	v7 =	vadd.s32 v1, v7  }
0x73: {  	[tilespmem:s26], [sflag:$0x4] =	stream.indirect_vreg.gather [hbm4b:s15+s9], $0x80, v8, vm0, $0xb8;
	[tilespmem:$0x12800] =	vst v63  }
0x74: {  	s28 =	simm.s32 $0xA200  }
0x75: {  	[tilespmem:s28], [sflag:$0x4] =	stream.indirect_vreg.gather [hbm4b:s16+s9], $0x80, v8, vm0, $0xb8;
	[tilespmem:$0x12800] =	vst v63  }
0x76: {  	s29 =	simm.s32 $0xAA00  }
0x77: {  	[tilespmem:s29], [sflag:$0x4] =	stream.indirect_vreg.gather [hbm4b:s3+s9], $0x80, v7, vm0, $0xb8;
	[tilespmem:$0x12800] =	vst v63  }
0x78: {  	p0 =	seq.s32 s20, $0x0;
	s30 =	simm.s32 $0xB200  }
0x79: {  	[tilespmem:s30], [sflag:$0x4] =	stream.indirect_vreg.gather [hbm4b:s15+s9], $0x80, v7, vm0, $0xb8;
	[tilespmem:$0x12800] =	vst v63  }
0x7a: {  	s4 =	simm.s32 @!p0 $0x5;
	s31 =	simm.s32 $0xBA00  }
0x7b: {  	[tilespmem:s31], [sflag:$0x4] =	stream.indirect_vreg.gather [hbm4b:s16+s9], $0x80, v7, vm0, $0xb8;
	[tilespmem:$0x12800] =	vst v63  }
0x7c: {  	_ =	swait.ge @!p0 [sflag:s4], $0x3000  }
0x7d: {  	[sflag:s4] =	ssyncset.done @!p0 $0x0  }
0x7e: {  	[sflag:s4] =	ssyncadd.s32 @!p0 $0xFFFFD000  }
0x7f: {  	_ =	swait.ge [sflag:s5], $0x3000  }
0x80: {  	[sflag:s5] =	ssyncset.done $0x0  }
0x81: {  	[sflag:s5] =	ssyncadd.s32 $0xFFFFD000  }
0x82: {  	_ =	swait.ge [sflag:s6], $0x3000  }
0x83: {  	[sflag:s6] =	ssyncset.done $0x0  }
0x84: {  	s24 =	simm.s32 $0x0;
	s25 =	simm.s32 $0x0;
	[sflag:s6] =	ssyncadd.s32 $0xFFFFD000  }
.LBB2_3:
0x85: {  	s4 =	sshrl.u32 s25, $0x3  }
0x86: {  	s11 =	sand.u32 $0x7, s24;
	s4 =	smul.u32 $0x6000, s4  }
0x87: {  	s11 =	sshll.u32 s11, $0x9  }
0x88: {  	s4 =	sor.u32 s11, s4  }
0x89: {  	s11 =	sshra.s32 s4, $0x2  }
0x8a: {  	s28 =	sadd.s32 $0x140, s11  }
0x8b: {  	s29 =	sadd.s32 $0x3140, s11;
	v7 =	vld [tilespmem:s28+$0xFFFFFFC0]  }
0x8c: {  	v8 =	vld [tilespmem:s29+$0xFFFFFFC0];
	_ =	sdelay $0x4  }
0x8d: {  	v7 =	vadd.f32 v8, v7  }
0x8e: {  	s4 =	sadd.s32 $0xC240, s11  }
0x8f: {  	[tilespmem:s4+$0xFFFFFFC0] =	vst v7  }
0x90: {  	v8 =	vld [tilespmem:s28+$0xFFFFFFD0]  }
0x91: {  	v9 =	vld [tilespmem:s29+$0xFFFFFFD0];
	_ =	sdelay $0x4  }
0x92: {  	v9 =	vadd.f32 v9, v8;
	_ =	sdelay $0x1  }
0x93: {  	[tilespmem:s4+$0xFFFFFFD0] =	vst v9  }
0x94: {  	v8 =	vld [tilespmem:s28+$0xFFFFFFE0]  }
0x95: {  	v10 =	vld [tilespmem:s29+$0xFFFFFFE0];
	_ =	sdelay $0x4  }
0x96: {  	v10 =	vadd.f32 v10, v8;
	_ =	sdelay $0x1  }
0x97: {  	[tilespmem:s4+$0xFFFFFFE0] =	vst v10  }
0x98: {  	v8 =	vld [tilespmem:s28+$0xFFFFFFF0]  }
0x99: {  	v11 =	vld [tilespmem:s29+$0xFFFFFFF0];
	_ =	sdelay $0x4  }
0x9a: {  	v12 =	vadd.f32 v11, v8;
	_ =	sdelay $0x1  }
0x9b: {  	[tilespmem:s4+$0xFFFFFFF0] =	vst v12  }
0x9c: {  	v8 =	vld [tilespmem:s28+$0x0]  }
0x9d: {  	v11 =	vld [tilespmem:s29+$0x0];
	_ =	sdelay $0x4  }
0x9e: {  	v8 =	vadd.f32 v11, v8;
	_ =	sdelay $0x1  }
0x9f: {  	[tilespmem:s4+$0x0] =	vst v8  }
0xa0: {  	v11 =	vld [tilespmem:s28+$0x10]  }
0xa1: {  	v13 =	vld [tilespmem:s29+$0x10];
	_ =	sdelay $0x4  }
0xa2: {  	v11 =	vadd.f32 v13, v11;
	_ =	sdelay $0x1  }
0xa3: {  	[tilespmem:s4+$0x10] =	vst v11  }
0xa4: {  	v13 =	vld [tilespmem:s28+$0x20]  }
0xa5: {  	v14 =	vmul.f32 v7, v7;
	v15 =	vld [tilespmem:s29+$0x20]  }
0xa6: {  	v16 =	vimm.f32 $0.0e+00  }
0xa7: {  	v7 =	vadd.f32 v7, v16;
	v14 =	vadd.f32 v14, v16;
	v17 =	vmul.f32 v8, v8  }
0xa8: {  	v18 =	vmul.f32 v9, v9;
	v9 =	vadd.f32 v9, v16  }
0xa9: {  	v8 =	vadd.f32 v8, v7;
	v7 =	vadd.f32 v17, v14  }
0xaa: {  	v17 =	vadd.f32 v18, v16;
	v13 =	vadd.f32 v15, v13;
	v15 =	vmul.f32 v11, v11  }
0xab: {  	v14 =	vmul.f32 v10, v10;
	v9 =	vadd.f32 v11, v9;
	v11 =	vadd.f32 v10, v16  }
0xac: {  	v18 =	vmul.f32 v12, v12;
	v10 =	vadd.f32 v15, v17;
	[tilespmem:s4+$0x20] =	vst v13  }
0xad: {  	v17 =	vadd.f32 v14, v16;
	v19 =	vmul.f32 v13, v13;
	v11 =	vadd.f32 v13, v11;
	v15 =	vld [tilespmem:s28+$0x30]  }
0xae: {  	v14 =	vadd.f32 v12, v16;
	v13 =	vadd.f32 v18, v16;
	v16 =	vld [tilespmem:s29+$0x30]  }
0xaf: {  	s26 =	sadd.s32 $0xC600, s11;
	s11 =	simm.s32 $0x0;
	s30 =	sadd.s32 $0x400, s4;
	v12 =	vadd.f32 v19, v17  }
.LBB2_4:
0xb0: {  	s11 =	sadd.s32 $0x80, s11;
	s28 =	sadd.s32 $0x400, s28;
	s29 =	sadd.s32 $0x400, s29  }
0xb1: {  	p0 =	slt.u32 s11, $0x280;
	_ =	sdelay $0x1  }
0xb2: {  	v15 =	vadd.f32 v16, v15;
	_ =	sdelay $0x1  }
0xb3: {  	[tilespmem:s4+$0x30] =	vst v15;
	v14 =	vadd.f32 v15, v14;
	v15 =	vmul.f32 v15, v15;
	s4 =	smov.u32 s30  }
0xb4: {  	v16 =	vld [tilespmem:s28+$0xFFFFFFC0]  }
0xb5: {  	v17 =	vld [tilespmem:s29+$0xFFFFFFC0];
	v13 =	vadd.f32 v15, v13;
	_ =	sdelay $0x4  }
0xb6: {  	v15 =	vadd.f32 v17, v16;
	_ =	sdelay $0x1  }
0xb7: {  	[tilespmem:s30+$0xFFFFFFC0] =	vst v15;
	v16 =	vmul.f32 v15, v15  }
0xb8: {  	v17 =	vld [tilespmem:s28+$0xFFFFFFD0]  }
0xb9: {  	v18 =	vld [tilespmem:s29+$0xFFFFFFD0];
	_ =	sdelay $0x4  }
0xba: {  	v17 =	vadd.f32 v18, v17;
	_ =	sdelay $0x1  }
0xbb: {  	[tilespmem:s30+$0xFFFFFFD0] =	vst v17;
	v18 =	vmul.f32 v17, v17  }
0xbc: {  	v19 =	vld [tilespmem:s28+$0xFFFFFFE0]  }
0xbd: {  	v20 =	vld [tilespmem:s29+$0xFFFFFFE0];
	_ =	sdelay $0x4  }
0xbe: {  	v19 =	vadd.f32 v20, v19;
	_ =	sdelay $0x1  }
0xbf: {  	[tilespmem:s30+$0xFFFFFFE0] =	vst v19;
	v20 =	vmul.f32 v19, v19  }
0xc0: {  	v21 =	vld [tilespmem:s28+$0xFFFFFFF0]  }
0xc1: {  	v22 =	vld [tilespmem:s29+$0xFFFFFFF0];
	_ =	sdelay $0x4  }
0xc2: {  	v21 =	vadd.f32 v22, v21;
	_ =	sdelay $0x1  }
0xc3: {  	[tilespmem:s30+$0xFFFFFFF0] =	vst v21;
	v22 =	vmul.f32 v21, v21  }
0xc4: {  	v23 =	vld [tilespmem:s28+$0x0]  }
0xc5: {  	v24 =	vld [tilespmem:s29+$0x0];
	_ =	sdelay $0x4  }
0xc6: {  	v8 =	vadd.f32 v15, v8;
	v15 =	vadd.f32 v24, v23;
	_ =	sdelay $0x1  }
0xc7: {  	v7 =	vadd.f32 v16, v7;
	[tilespmem:s30+$0x0] =	vst v15;
	v8 =	vadd.f32 v15, v8;
	v15 =	vmul.f32 v15, v15  }
0xc8: {  	v16 =	vld [tilespmem:s28+$0x10]  }
0xc9: {  	v7 =	vadd.f32 v15, v7;
	v15 =	vld [tilespmem:s29+$0x10];
	_ =	sdelay $0x4  }
0xca: {  	v9 =	vadd.f32 v17, v9;
	v15 =	vadd.f32 v15, v16;
	_ =	sdelay $0x1  }
0xcb: {  	v10 =	vadd.f32 v18, v10;
	[tilespmem:s30+$0x10] =	vst v15;
	v9 =	vadd.f32 v15, v9;
	v15 =	vmul.f32 v15, v15  }
0xcc: {  	v16 =	vld [tilespmem:s28+$0x20]  }
0xcd: {  	v10 =	vadd.f32 v15, v10;
	v15 =	vld [tilespmem:s29+$0x20];
	_ =	sdelay $0x4  }
0xce: {  	v11 =	vadd.f32 v19, v11;
	v15 =	vadd.f32 v15, v16  }
.Ltmp0:
0xcf: {  	(pc) =	sbr.rel @p0 .LBB2_4-.Ltmp0, $4  }
0xd0: {  	v12 =	vadd.f32 v20, v12;
	[tilespmem:s30+$0x20] =	vst v15;
	v11 =	vadd.f32 v15, v11;
	v16 =	vmul.f32 v15, v15  }
0xd1: {  	v14 =	vadd.f32 v21, v14;
	v15 =	vld [tilespmem:s28+$0x30]  }
0xd2: {  	v13 =	vadd.f32 v22, v13;
	v12 =	vadd.f32 v16, v12;
	v16 =	vld [tilespmem:s29+$0x30]  }
0xd3: {  	s30 =	sadd.s32 $0x400, s30  }
0xd4: {  	_ =	sdelay $0x2  }
0xd5: {  	v15 =	vadd.f32 v16, v15;
	_ =	sdelay $0x1  }
0xd6: {  	v14 =	vadd.f32 v15, v14;
	v16 =	vmul.f32 v15, v15  }
0xd7: {  	v8 =	vadd.f32 v9, v8  }
0xd8: {  	v9 =	vadd.f32 v14, v11;
	v11 =	vadd.f32 v16, v13  }
0xd9: {  	v7 =	vadd.f32 v10, v7  }
0xda: {  	v8 =	vadd.f32 v9, v8;
	v9 =	vadd.f32 v11, v12;
	_ =	sdelay $0x1  }
0xdb: {  	v7 =	vadd.f32 v9, v7;
	v9 =	vperm.xlane v8, v3;
	_ =	sdelay $0x1  }
0xdc: {  	v8 =	vadd.f32 v9, v8;
	v9 =	vperm.xlane v7, v3;
	_ =	sdelay $0x1  }
0xdd: {  	v10 =	vperm.xlane v8, v4;
	v7 =	vadd.f32 v9, v7;
	_ =	sdelay $0x1  }
0xde: {  	v8 =	vadd.f32 v10, v8;
	v9 =	vperm.xlane v7, v4;
	_ =	sdelay $0x1  }
0xdf: {  	v10 =	vperm.xlane v8, v5;
	v7 =	vadd.f32 v9, v7;
	_ =	sdelay $0x1  }
0xe0: {  	v8 =	vadd.f32 v10, v8;
	v9 =	vperm.xlane v7, v5;
	_ =	sdelay $0x1  }
0xe1: {  	v10 =	vperm.xlane v8, v6;
	v7 =	vadd.f32 v9, v7;
	_ =	sdelay $0x1  }
0xe2: {  	v8 =	vadd.f32 v10, v8;
	v9 =	vperm.xlane v7, v6;
	_ =	sdelay $0x1  }
0xe3: {  	v10 =	vmul.f32 $1.302083370e-03, v8;
	v7 =	vadd.f32 v9, v7;
	_ =	sdelay $0x1  }
0xe4: {  	v7 =	vmul.f32 $1.302083370e-03, v7;
	v8 =	vmul.f32 v10, v10;
	_ =	sdelay $0x1  }
0xe5: {  	v7 =	vsub.f32 v7, v8;
	_ =	sdelay $0x1  }
0xe6: {  	v7 =	vadd.f32 $1.000000010e-07, v7;
	_ =	sdelay $0x1  }
0xe7: {  	v8 =	vshra.s32 v7, $0x1;
	v7 =	vmul.f32 $5.000000000e-01, v7  }
0xe8: {  	v8 =	vsub.s32 $0x5F3759DF, v8  }
0xe9: {  	v9 =	vmul.f32 v8, v7;
	_ =	sdelay $0x1  }
0xea: {  	v9 =	vmul.f32 v8, v9;
	_ =	sdelay $0x1  }
0xeb: {  	v9 =	vsub.f32 $1.500000000e+00, v9;
	_ =	sdelay $0x1  }
0xec: {  	v8 =	vmul.f32 v8, v9;
	_ =	sdelay $0x1  }
0xed: {  	v9 =	vmul.f32 v8, v7;
	_ =	sdelay $0x1  }
0xee: {  	v9 =	vmul.f32 v9, v8;
	_ =	sdelay $0x1  }
0xef: {  	v9 =	vsub.f32 $1.500000000e+00, v9;
	_ =	sdelay $0x1  }
0xf0: {  	v8 =	vmul.f32 v9, v8;
	_ =	sdelay $0x1  }
0xf1: {  	v7 =	vmul.f32 v8, v7;
	_ =	sdelay $0x1  }
0xf2: {  	[tilespmem:s4+$0x30] =	vst v15;
	v7 =	vmul.f32 v7, v8  }
0xf3: {  	v9 =	vld [tilespmem:s26+$0xFFFFFC00]  }
0xf4: {  	v7 =	vsub.f32 $1.500000000e+00, v7;
	_ =	sdelay $0x1  }
0xf5: {  	s4 =	simm.s32 $0x12280;
	v11 =	vld [tilespmem:s26+$0x0];
	v8 =	vmul.f32 v7, v8  }
0xf6: {  	v12 =	vld [tilespmem:s4+$0xFFFFFF80]  }
0xf7: {  	s11 =	simm.s32 $0x12580;
	v7 =	vmul.f32 v8, v10;
	v9 =	vmul.f32 v9, v8  }
0xf8: {  	v10 =	vld [tilespmem:s11+$0xFFFFFF80]  }
0xf9: {  	v13 =	vld [tilespmem:s4+$0x0];
	v9 =	vsub.f32 v9, v7  }
0xfa: {  	v11 =	vmul.f32 v11, v8  }
0xfb: {  	v14 =	vld [tilespmem:s11+$0x0];
	v9 =	vmul.f32 v9, v12  }
0xfc: {  	v11 =	vsub.f32 v11, v7;
	v12 =	vld [tilespmem:s26+$0xFFFFFC10]  }
0xfd: {  	v9 =	vadd.f32 v9, v10  }
0xfe: {  	v11 =	vmul.f32 v11, v13  }
0xff: {  	v10 =	vld [tilespmem:s26+$0x10];
	[tilespmem:s26+$0xFFFFFC00] =	vst v9  }
0x100: {  	v11 =	vadd.f32 v11, v14;
	v9 =	vld [tilespmem:s4+$0xFFFFFF90]  }
0x101: {  	v12 =	vmul.f32 v12, v8  }
0x102: {  	[tilespmem:s26+$0x0] =	vst v11;
	v13 =	vld [tilespmem:s11+$0xFFFFFF90]  }
0x103: {  	v11 =	vsub.f32 v12, v7;
	v12 =	vld [tilespmem:s4+$0x10]  }
0x104: {  	v10 =	vmul.f32 v10, v8  }
0x105: {  	v14 =	vld [tilespmem:s11+$0x10];
	v9 =	vmul.f32 v11, v9  }
0x106: {  	v10 =	vsub.f32 v10, v7;
	v11 =	vld [tilespmem:s26+$0xFFFFFC20]  }
0x107: {  	v9 =	vadd.f32 v9, v13  }
0x108: {  	v10 =	vmul.f32 v10, v12  }
0x109: {  	[tilespmem:s26+$0xFFFFFC10] =	vst v9;
	v9 =	vld [tilespmem:s26+$0x20]  }
0x10a: {  	v10 =	vadd.f32 v10, v14;
	v12 =	vld [tilespmem:s4+$0xFFFFFFA0]  }
0x10b: {  	v11 =	vmul.f32 v11, v8  }
0x10c: {  	v14 =	vld [tilespmem:s11+$0xFFFFFFA0];
	[tilespmem:s26+$0x10] =	vst v10  }
0x10d: {  	v10 =	vsub.f32 v11, v7;
	v11 =	vld [tilespmem:s4+$0x20]  }
0x10e: {  	v9 =	vmul.f32 v9, v8  }
0x10f: {  	v10 =	vmul.f32 v10, v12;
	v12 =	vld [tilespmem:s11+$0x20]  }
0x110: {  	v13 =	vld [tilespmem:s26+$0xFFFFFC30];
	v9 =	vsub.f32 v9, v7  }
0x111: {  	s28 =	sadd.s32 $0x800, s26;
	v18 =	vld [tilespmem:s26+$0x50];
	v10 =	vadd.f32 v10, v14  }
0x112: {  	v19 =	vld [tilespmem:s28+$0x0];
	v9 =	vmul.f32 v9, v11  }
0x113: {  	v11 =	vld [tilespmem:s26+$0x30];
	[tilespmem:s26+$0xFFFFFC20] =	vst v10  }
0x114: {  	v15 =	vld [tilespmem:s4+$0xFFFFFFB0];
	v9 =	vadd.f32 v9, v12  }
0x115: {  	v22 =	vld [tilespmem:s28+$0x10];
	v12 =	vmul.f32 v13, v8  }
0x116: {  	v16 =	vld [tilespmem:s11+$0xFFFFFFB0];
	[tilespmem:s26+$0x20] =	vst v9  }
0x117: {  	s29 =	simm.s32 $0x12380;
	v9 =	vsub.f32 v12, v7;
	v12 =	vld [tilespmem:s4+$0x30]  }
0x118: {  	v23 =	vld [tilespmem:s29+$0x0];
	v11 =	vmul.f32 v11, v8  }
0x119: {  	v17 =	vld [tilespmem:s11+$0x30];
	v9 =	vmul.f32 v9, v15  }
0x11a: {  	v15 =	vld [tilespmem:s26+$0xFFFFFC40];
	v11 =	vsub.f32 v11, v7  }
0x11b: {  	v59 =	vld [tilespmem:s28+$0xFFFFFC10];
	v9 =	vadd.f32 v9, v16  }
0x11c: {  	v14 =	vld [tilespmem:s26+$0x70];
	v11 =	vmul.f32 v11, v12  }
0x11d: {  	v12 =	vld [tilespmem:s26+$0x40];
	[tilespmem:s26+$0xFFFFFC30] =	vst v9  }
0x11e: {  	v9 =	vld [tilespmem:s4+$0xFFFFFFC0];
	v11 =	vadd.f32 v11, v17  }
0x11f: {  	v15 =	vmul.f32 v15, v8;
	v17 =	vld [tilespmem:s28+$0xFFFFFC00]  }
0x120: {  	v20 =	vld [tilespmem:s11+$0xFFFFFFC0];
	[tilespmem:s26+$0x30] =	vst v11  }
0x121: {  	v11 =	vsub.f32 v15, v7;
	v15 =	vld [tilespmem:s4+$0x40]  }
0x122: {  	v16 =	vld [tilespmem:s26+$0xFFFFFC50];
	v12 =	vmul.f32 v12, v8  }
0x123: {  	v21 =	vld [tilespmem:s11+$0x40];
	v9 =	vmul.f32 v11, v9  }
0x124: {  	v11 =	vsub.f32 v12, v7;
	v12 =	vld [tilespmem:s29+$0xFFFFFF80]  }
0x125: {  	s30 =	simm.s32 $0x12680;
	v10 =	vld [tilespmem:s26+$0xFFFFFC70];
	v17 =	vmul.f32 v17, v8;
	v9 =	vadd.f32 v9, v20  }
0x126: {  	v19 =	vmul.f32 v19, v8;
	v20 =	vld [tilespmem:s30+$0xFFFFFF80];
	v11 =	vmul.f32 v11, v15  }
0x127: {  	v15 =	vsub.f32 v17, v7;
	v17 =	vld [tilespmem:s30+$0x0];
	[tilespmem:s26+$0xFFFFFC40] =	vst v9  }
0x128: {  	v9 =	vsub.f32 v19, v7;
	v19 =	vld [tilespmem:s4+$0xFFFFFFD0];
	v11 =	vadd.f32 v11, v21  }
0x129: {  	v13 =	vld [tilespmem:s26+$0x60];
	v16 =	vmul.f32 v16, v8;
	v12 =	vmul.f32 v15, v12  }
0x12a: {  	v15 =	vld [tilespmem:s11+$0xFFFFFFD0];
	v9 =	vmul.f32 v9, v23;
	[tilespmem:s26+$0x40] =	vst v11  }
0x12b: {  	v11 =	vsub.f32 v16, v7;
	v12 =	vadd.f32 v12, v20;
	v16 =	vld [tilespmem:s4+$0x50]  }
0x12c: {  	v18 =	vmul.f32 v18, v8;
	v9 =	vadd.f32 v9, v17;
	v17 =	vld [tilespmem:s11+$0x50]  }
0x12d: {  	[tilespmem:s28+$0xFFFFFC00] =	vst v12;
	v12 =	vld [tilespmem:s26+$0xFFFFFC60];
	v11 =	vmul.f32 v11, v19  }
0x12e: {  	v18 =	vsub.f32 v18, v7;
	v19 =	vld [tilespmem:s29+$0xFFFFFF90];
	[tilespmem:s28+$0x0] =	vst v9  }
0x12f: {  	v9 =	vld [tilespmem:s30+$0x10];
	v11 =	vadd.f32 v11, v15  }
0x130: {  	v20 =	vld [tilespmem:s29+$0x10];
	v15 =	vmul.f32 v59, v8;
	v16 =	vmul.f32 v18, v16  }
0x131: {  	v60 =	vmul.f32 v22, v8;
	v18 =	vld [tilespmem:s30+$0xFFFFFF90];
	[tilespmem:s26+$0xFFFFFC50] =	vst v11  }
0x132: {  	v11 =	vsub.f32 v15, v7;
	v15 =	vld [tilespmem:s4+$0xFFFFFFE0];
	v16 =	vadd.f32 v16, v17  }
0x133: {  	v12 =	vmul.f32 v12, v8;
	v17 =	vsub.f32 v60, v7;
	v61 =	vld [tilespmem:s11+$0xFFFFFFE0]  }
0x134: {  	v11 =	vmul.f32 v11, v19;
	v19 =	vld [tilespmem:s28+$0xFFFFFC20];
	[tilespmem:s26+$0x50] =	vst v16  }
0x135: {  	v12 =	vsub.f32 v12, v7;
	v16 =	vmul.f32 v17, v20;
	v17 =	vld [tilespmem:s4+$0x60]  }
0x136: {  	v13 =	vmul.f32 v13, v8;
	v20 =	vld [tilespmem:s28+$0xFFFFFC30];
	v11 =	vadd.f32 v11, v18  }
0x137: {  	v18 =	vld [tilespmem:s11+$0x60];
	v9 =	vadd.f32 v16, v9;
	v12 =	vmul.f32 v12, v15  }
0x138: {  	v13 =	vsub.f32 v13, v7;
	[tilespmem:s28+$0xFFFFFC10] =	vst v11;
	v11 =	vld [tilespmem:s28+$0x20]  }
0x139: {  	v16 =	vld [tilespmem:s29+$0xFFFFFFA0];
	[tilespmem:s28+$0x10] =	vst v9;
	v9 =	vadd.f32 v12, v61  }
0x13a: {  	v12 =	vmul.f32 v19, v8;
	v15 =	vld [tilespmem:s30+$0x20];
	v13 =	vmul.f32 v13, v17  }
0x13b: {  	v17 =	vld [tilespmem:s30+$0xFFFFFFA0];
	[tilespmem:s26+$0xFFFFFC60] =	vst v9  }
0x13c: {  	v9 =	vsub.f32 v12, v7;
	v19 =	vld [tilespmem:s4+$0xFFFFFFF0];
	v12 =	vadd.f32 v13, v18  }
0x13d: {  	v10 =	vmul.f32 v10, v8;
	v18 =	vld [tilespmem:s29+$0x20]  }
0x13e: {  	v62 =	vld [tilespmem:s11+$0xFFFFFFF0];
	v13 =	vmul.f32 v11, v8;
	[tilespmem:s26+$0x60] =	vst v12  }
0x13f: {  	v10 =	vsub.f32 v10, v7;
	v9 =	vmul.f32 v9, v16;
	v12 =	vld [tilespmem:s4+$0x70]  }
0x140: {  	v14 =	vmul.f32 v14, v8;
	v63 =	vsub.f32 v13, v7;
	v13 =	vld [tilespmem:s28+$0x70]  }
0x141: {  	v11 =	vld [tilespmem:s11+$0x70];
	v9 =	vadd.f32 v9, v17;
	v19 =	vmul.f32 v10, v19  }
0x142: {  	v17 =	vld [tilespmem:s28+$0x30];
	v10 =	vsub.f32 v14, v7;
	v18 =	vmul.f32 v63, v18  }
0x143: {  	s31 =	simm.s32 $0x12680;
	v16 =	vmul.f32 v20, v8;
	s11 =	simm.s32 $0x100;
	s4 =	simm.s32 $0x12380;
	[tilespmem:s28+$0xFFFFFC20] =	vst v9;
	v9 =	vld [tilespmem:s28+$0xFFFFFC70];
	v14 =	vadd.f32 v19, v62  }
.LBB2_6:
0x144: {  	s11 =	sadd.s32 $0x100, s11;
	v19 =	vld [tilespmem:s29+$0xFFFFFFB0];
	v15 =	vadd.f32 v18, v15;
	v12 =	vmul.f32 v10, v12  }
0x145: {  	p0 =	slt.u32 s11, $0x200;
	v18 =	vld [tilespmem:s28+$0x60];
	[tilespmem:s26+$0xFFFFFC70] =	vst v14  }
0x146: {  	v14 =	vsub.f32 v16, v7;
	v16 =	vld [tilespmem:s30+$0xFFFFFFB0];
	[tilespmem:s28+$0x20] =	vst v15;
	v10 =	vmul.f32 v13, v8;
	v11 =	vadd.f32 v12, v11  }
0x147: {  	v12 =	vmul.f32 v17, v8;
	v13 =	vld [tilespmem:s29+$0x30]  }
0x148: {  	v15 =	vld [tilespmem:s30+$0x30];
	[tilespmem:s26+$0x70] =	vst v11;
	s26 =	smov.u32 s28  }
0x149: {  	v11 =	vmul.f32 v14, v19;
	v14 =	vld [tilespmem:s28+$0xFFFFFC40];
	v12 =	vsub.f32 v12, v7  }
0x14a: {  	v17 =	vld [tilespmem:s28+$0x50];
	v18 =	vmul.f32 v18, v8  }
0x14b: {  	v11 =	vadd.f32 v11, v16;
	v16 =	vld [tilespmem:s28+$0xFFFFFC50]  }
0x14c: {  	s28 =	sadd.s32 $0x800, s28;
	v12 =	vmul.f32 v12, v13;
	v13 =	vld [tilespmem:s26+$0x40]  }
0x14d: {  	v19 =	vld [tilespmem:s28+$0x0];
	[tilespmem:s26+$0xFFFFFC30] =	vst v11  }
0x14e: {  	v11 =	vmul.f32 v14, v8;
	v14 =	vld [tilespmem:s29+$0xFFFFFFC0];
	v12 =	vadd.f32 v12, v15  }
0x14f: {  	v15 =	vld [tilespmem:s28+$0xFFFFFC00]  }
0x150: {  	v11 =	vsub.f32 v11, v7;
	v20 =	vld [tilespmem:s30+$0xFFFFFFC0];
	[tilespmem:s26+$0x30] =	vst v12  }
0x151: {  	v12 =	vmul.f32 v13, v8;
	v13 =	vld [tilespmem:s29+$0x40]  }
0x152: {  	v21 =	vld [tilespmem:s30+$0x40]  }
0x153: {  	s29 =	sadd.s32 $0x100, s29;
	v22 =	vld [tilespmem:s28+$0x10];
	v11 =	vmul.f32 v11, v14;
	v12 =	vsub.f32 v12, v7  }
0x154: {  	v14 =	vld [tilespmem:s29+$0xFFFFFF80]  }
0x155: {  	s30 =	sadd.s32 $0x100, s30;
	v15 =	vmul.f32 v15, v8;
	v23 =	vld [tilespmem:s29+$0x0];
	v11 =	vadd.f32 v11, v20  }
0x156: {  	v19 =	vmul.f32 v19, v8;
	v20 =	vld [tilespmem:s30+$0xFFFFFF80];
	v12 =	vmul.f32 v12, v13  }
0x157: {  	v13 =	vsub.f32 v15, v7;
	v15 =	vld [tilespmem:s30+$0x0];
	[tilespmem:s26+$0xFFFFFC40] =	vst v11  }
0x158: {  	v16 =	vmul.f32 v16, v8;
	v11 =	vsub.f32 v19, v7;
	v19 =	vld [tilespmem:s4+$0xFFFFFFD0];
	v12 =	vadd.f32 v12, v21  }
0x159: {  	v13 =	vmul.f32 v13, v14;
	v14 =	vld [tilespmem:s31+$0xFFFFFFD0]  }
0x15a: {  	v16 =	vsub.f32 v16, v7;
	v21 =	vld [tilespmem:s28+$0xFFFFFC10];
	v11 =	vmul.f32 v11, v23;
	[tilespmem:s26+$0x40] =	vst v12  }
0x15b: {  	v12 =	vadd.f32 v13, v20;
	v13 =	vmul.f32 v17, v8;
	v17 =	vld [tilespmem:s4+$0x50]  }
0x15c: {  	v11 =	vadd.f32 v11, v15;
	v15 =	vld [tilespmem:s31+$0x50]  }
0x15d: {  	[tilespmem:s28+$0xFFFFFC00] =	vst v12;
	v12 =	vmul.f32 v16, v19;
	v16 =	vld [tilespmem:s26+$0xFFFFFC60];
	v13 =	vsub.f32 v13, v7  }
0x15e: {  	v19 =	vld [tilespmem:s29+$0xFFFFFF90];
	[tilespmem:s28+$0x0] =	vst v11  }
0x15f: {  	v11 =	vmul.f32 v21, v8;
	v20 =	vld [tilespmem:s30+$0x10];
	v12 =	vadd.f32 v12, v14  }
0x160: {  	v14 =	vld [tilespmem:s29+$0x10];
	v13 =	vmul.f32 v13, v17  }
0x161: {  	v21 =	vmul.f32 v22, v8;
	v11 =	vsub.f32 v11, v7;
	v17 =	vld [tilespmem:s30+$0xFFFFFF90];
	[tilespmem:s26+$0xFFFFFC50] =	vst v12  }
0x162: {  	v12 =	vmul.f32 v16, v8;
	v16 =	vld [tilespmem:s4+$0xFFFFFFE0];
	v13 =	vadd.f32 v13, v15  }
0x163: {  	v15 =	vsub.f32 v21, v7;
	v11 =	vmul.f32 v11, v19;
	v19 =	vld [tilespmem:s31+$0xFFFFFFE0]  }
0x164: {  	v21 =	vld [tilespmem:s28+$0xFFFFFC20];
	v12 =	vsub.f32 v12, v7;
	[tilespmem:s26+$0x50] =	vst v13  }
0x165: {  	v13 =	vmul.f32 v15, v14;
	v14 =	vld [tilespmem:s4+$0x60]  }
0x166: {  	v11 =	vadd.f32 v11, v17;
	v17 =	vld [tilespmem:s31+$0x60]  }
0x167: {  	v22 =	vld [tilespmem:s28+$0xFFFFFC30];
	v13 =	vadd.f32 v13, v20;
	v12 =	vmul.f32 v12, v16;
	v16 =	vsub.f32 v18, v7  }
0x168: {  	[tilespmem:s28+$0xFFFFFC10] =	vst v11;
	v11 =	vld [tilespmem:s28+$0x20]  }
0x169: {  	v18 =	vmul.f32 v21, v8;
	v20 =	vld [tilespmem:s29+$0xFFFFFFA0];
	[tilespmem:s28+$0x10] =	vst v13;
	v12 =	vadd.f32 v12, v19  }
0x16a: {  	v15 =	vld [tilespmem:s30+$0x20];
	v13 =	vmul.f32 v16, v14  }
0x16b: {  	v9 =	vmul.f32 v9, v8;
	v14 =	vld [tilespmem:s30+$0xFFFFFFA0];
	[tilespmem:s26+$0xFFFFFC60] =	vst v12  }
0x16c: {  	v12 =	vsub.f32 v18, v7;
	v16 =	vmul.f32 v22, v8;
	v18 =	vld [tilespmem:s4+$0xFFFFFFF0];
	v13 =	vadd.f32 v13, v17  }
0x16d: {  	v11 =	vmul.f32 v11, v8;
	v17 =	vld [tilespmem:s29+$0x20]  }
0x16e: {  	v9 =	vsub.f32 v9, v7;
	v19 =	vld [tilespmem:s31+$0xFFFFFFF0];
	[tilespmem:s26+$0x60] =	vst v13  }
.Ltmp1:
0x16f: {  	v13 =	vmul.f32 v12, v20;
	v20 =	vsub.f32 v11, v7;
	v12 =	vld [tilespmem:s4+$0x70];
	s4 =	smov.u32 s29;
	(pc) =	sbr.rel @p0 .LBB2_6-.Ltmp1, $4  }
0x170: {  	v11 =	vld [tilespmem:s31+$0x70];
	s31 =	smov.u32 s30  }
0x171: {  	v10 =	vsub.f32 v10, v7;
	v14 =	vadd.f32 v13, v14;
	v13 =	vld [tilespmem:s28+$0x70];
	v21 =	vmul.f32 v9, v18  }
0x172: {  	v18 =	vmul.f32 v20, v17;
	v17 =	vld [tilespmem:s28+$0x30]  }
0x173: {  	[tilespmem:s28+$0xFFFFFC20] =	vst v14;
	v9 =	vld [tilespmem:s28+$0xFFFFFC70];
	v14 =	vadd.f32 v21, v19  }
0x174: {  	v15 =	vadd.f32 v18, v15;
	_ =	sdelay $0x1  }
0x175: {  	v19 =	vld [tilespmem:s29+$0xFFFFFFB0];
	[tilespmem:s28+$0x20] =	vst v15  }
0x176: {  	v15 =	vld [tilespmem:s29+$0x30]  }
0x177: {  	v20 =	vld [tilespmem:s30+$0xFFFFFFB0];
	v17 =	vmul.f32 v17, v8  }
0x178: {  	v16 =	vsub.f32 v16, v7;
	v21 =	vld [tilespmem:s30+$0x30]  }
0x179: {  	v17 =	vsub.f32 v17, v7  }
0x17a: {  	v16 =	vmul.f32 v16, v19  }
0x17b: {  	v42 =	vld [tilespmem:s28+$0xFFFFFC40];
	v15 =	vmul.f32 v17, v15  }
0x17c: {  	v43 =	vld [tilespmem:s28+$0x40];
	v16 =	vadd.f32 v16, v20  }
0x17d: {  	v15 =	vadd.f32 v15, v21  }
0x17e: {  	[tilespmem:s28+$0xFFFFFC30] =	vst v16  }
0x17f: {  	v16 =	vld [tilespmem:s29+$0xFFFFFFC0];
	[tilespmem:s28+$0x30] =	vst v15  }
0x180: {  	v46 =	vmul.f32 v42, v8;
	v47 =	vld [tilespmem:s29+$0x40]  }
0x181: {  	v17 =	vmul.f32 v43, v8;
	v22 =	vld [tilespmem:s30+$0xFFFFFFC0]  }
0x182: {  	v15 =	vsub.f32 v46, v7;
	v23 =	vld [tilespmem:s30+$0x40]  }
0x183: {  	v17 =	vsub.f32 v17, v7  }
0x184: {  	v15 =	vmul.f32 v15, v16  }
0x185: {  	v44 =	vld [tilespmem:s28+$0xFFFFFC50];
	v48 =	vmul.f32 v17, v47  }
0x186: {  	v45 =	vld [tilespmem:s28+$0x50];
	v15 =	vadd.f32 v15, v22  }
0x187: {  	v16 =	vadd.f32 v48, v23  }
0x188: {  	[tilespmem:s28+$0xFFFFFC40] =	vst v15  }
0x189: {  	v15 =	vld [tilespmem:s4+$0xFFFFFFD0];
	[tilespmem:s28+$0x40] =	vst v16  }
0x18a: {  	v49 =	vmul.f32 v44, v8;
	v50 =	vld [tilespmem:s4+$0x50]  }
0x18b: {  	v52 =	vmul.f32 v45, v8;
	v51 =	vld [tilespmem:s31+$0xFFFFFFD0]  }
0x18c: {  	v16 =	vsub.f32 v49, v7;
	v53 =	vld [tilespmem:s31+$0x50]  }
0x18d: {  	v20 =	vsub.f32 v52, v7  }
0x18e: {  	v15 =	vmul.f32 v16, v15  }
0x18f: {  	v55 =	vld [tilespmem:s28+$0xFFFFFC60];
	v54 =	vmul.f32 v20, v50  }
0x190: {  	v41 =	vld [tilespmem:s28+$0x60];
	v15 =	vadd.f32 v15, v51  }
0x191: {  	v16 =	vadd.f32 v54, v53  }
0x192: {  	[tilespmem:s28+$0xFFFFFC50] =	vst v15  }
0x193: {  	v15 =	vld [tilespmem:s4+$0xFFFFFFE0];
	[tilespmem:s28+$0x50] =	vst v16  }
0x194: {  	v56 =	vmul.f32 v55, v8;
	v57 =	vld [tilespmem:s4+$0x60]  }
0x195: {  	v18 =	vmul.f32 v41, v8;
	v58 =	vld [tilespmem:s31+$0xFFFFFFE0]  }
0x196: {  	v16 =	vsub.f32 v56, v7;
	v59 =	vld [tilespmem:s31+$0x60]  }
0x197: {  	v18 =	vsub.f32 v18, v7  }
0x198: {  	v15 =	vmul.f32 v16, v15  }
0x199: {  	v60 =	vmul.f32 v18, v57  }
0x19a: {  	v15 =	vadd.f32 v15, v58  }
0x19b: {  	v16 =	vadd.f32 v60, v59  }
0x19c: {  	[tilespmem:s28+$0xFFFFFC60] =	vst v15  }
0x19d: {  	v15 =	vld [tilespmem:s4+$0xFFFFFFF0];
	[tilespmem:s28+$0x60] =	vst v16  }
0x19e: {  	v9 =	vmul.f32 v9, v8;
	v16 =	vld [tilespmem:s4+$0x70]  }
0x19f: {  	v8 =	vmul.f32 v13, v8;
	v61 =	vld [tilespmem:s31+$0xFFFFFFF0]  }
0x1a0: {  	v9 =	vsub.f32 v9, v7;
	v62 =	vld [tilespmem:s31+$0x70]  }
0x1a1: {  	v10 =	vmul.f32 v10, v12;
	s25 =	sadd.s32 $0x1, s25;
	v7 =	vsub.f32 v8, v7  }
0x1a2: {  	p0 =	sne.s32 s25, $0x10;
	v8 =	vmul.f32 v9, v15  }
.Ltmp2:
0x1a3: {  	v63 =	vadd.f32 v10, v11;
	v7 =	vmul.f32 v7, v16;
	(pc) =	sbr.rel @p0 .LBB2_3-.Ltmp2, $4  }
0x1a4: {  	[tilespmem:s26+$0xFFFFFC70] =	vst v14;
	v8 =	vadd.f32 v8, v61  }
0x1a5: {  	[tilespmem:s26+$0x70] =	vst v63;
	v7 =	vadd.f32 v7, v62  }
0x1a6: {  	[tilespmem:s28+$0xFFFFFC70] =	vst v8  }
0x1a7: {  	s24 =	sadd.s32 $0x1, s24;
	[tilespmem:s28+$0x70] =	vst v7  }
0x1a8: {  	s4 =	smul.u32 $0x300, s23;
	_ =	sdelay $0x1  }
0x1a9: {  	s11 =	simm.s32 $0xC200;
	p0 =	seq.s32 s20, $0xF;
	s4 =	sadd.s32 s8, s4  }
0x1aa: {  	[hbm4b:s4+s9] =	stream.linear.scatter [tilespmem:s11], [sflag:$0x5], $0x3000, $0x38;
	[tilespmem:$0x12800] =	vst v63  }
0x1ab: {  	s4 =	sshrl.u32 @!p0 s22, $0x3  }
0x1ac: {  	s4 =	sadd.s32 @!p0 $0x4, s4  }
0x1ad: {  	s22 =	simm.s32 @!p0 $0x0;
	s11 =	sadd.s32 @!p0 s0, s4  }
0x1ae: {  	[tilespmem:s22], [sflag:$0x7] =	stream.linear.gather @!p0 [hbm4b:s11+s22], $0x10, $0x38;
	[tilespmem:$0x12800] =	vst v63  }
0x1af: {  	s11 =	simm.s32 @!p0 $0x7  }
0x1b0: {  	_ =	swait.ge @!p0 [sflag:s11], $0x10  }
0x1b1: {  	[sflag:s11] =	ssyncset.done @!p0 $0x0  }
0x1b2: {  	s23 =	simm.s32 @!p0 $0x80;
	s4 =	sadd.s32 @!p0 s1, s4;
	[sflag:s11] =	ssyncadd.s32 @!p0 $0xFFFFFFF0  }
0x1b3: {  	[tilespmem:s23], [sflag:$0x7] =	stream.linear.gather @!p0 [hbm4b:s4+s22], $0x10, $0x38;
	[tilespmem:$0x12800] =	vst v63  }
0x1b4: {  	_ =	swait.ge @!p0 [sflag:s11], $0x10  }
0x1b5: {  	[sflag:s11] =	ssyncset.done @!p0 $0x0  }
0x1b6: {  	[sflag:s11] =	ssyncadd.s32 @!p0 $0xFFFFFFF0  }
0x1b7: {  	v7 =	vld @!p0 [tilespmem:$0x0];
	_ =	sdelay $0x4  }
0x1b8: {  	v8 =	vshrl.u32 @!p0 v7, $0x3  }
0x1b9: {  	v8 =	vmul.u32 @!p0 $0x30, v8  }
0x1ba: {  	v9 =	vlaneseq.u32 @!p0;
	v7 =	vand.u32 @!p0 $0x7, v7  }
0x1bb: {  	v10 =	vshrl.u32 @!p0 v9, $0x3;
	v7 =	vor.u32 @!p0 v7, v8;
	v8 =	vand.u32 @!p0 $0x7, v9  }
0x1bc: {  	v10 =	vmul.u32 @!p0 $0x8, v10;
	v11 =	vperm.xlane @!p0 v7, v8;
	_ =	sdelay $0x1  }
0x1bd: {  	v11 =	vadd.s32 @!p0 v10, v11;
	_ =	sdelay $0x2  }
0x1be: {  	v9 =	vor.u32 @!p0 $0x8, v9  }
0x1bf: {  	vm1 =	vmmov @!p0 $0xffff;
	s4 =	simm.s32 @!p0 $0x100;
	v7 =	vperm.xlane @!p0 v7, v9  }
0x1c0: {  	[tilespmem:s4], [sflag:$0x1] =	stream.indirect_vreg.gather @!p0 [hbm4b:s2+s22], $0x80, v11, vm1, $0xb8;
	[tilespmem:$0x12800] =	vst v63  }
0x1c1: {  	v7 =	vadd.s32 @!p0 v10, v7;
	s4 =	simm.s32 @!p0 $0x900  }
0x1c2: {  	[tilespmem:s4], [sflag:$0x1] =	stream.indirect_vreg.gather @!p0 [hbm4b:s13+s22], $0x80, v11, vm1, $0xb8;
	[tilespmem:$0x12800] =	vst v63  }
0x1c3: {  	s4 =	simm.s32 @!p0 $0x1100  }
0x1c4: {  	[tilespmem:s4], [sflag:$0x1] =	stream.indirect_vreg.gather @!p0 [hbm4b:s14+s22], $0x80, v11, vm1, $0xb8;
	[tilespmem:$0x12800] =	vst v63  }
0x1c5: {  	s4 =	simm.s32 @!p0 $0x1900  }
0x1c6: {  	[tilespmem:s4], [sflag:$0x1] =	stream.indirect_vreg.gather @!p0 [hbm4b:s2+s22], $0x80, v7, vm1, $0xb8;
	[tilespmem:$0x12800] =	vst v63  }
0x1c7: {  	s4 =	simm.s32 @!p0 $0x2100  }
0x1c8: {  	[tilespmem:s4], [sflag:$0x1] =	stream.indirect_vreg.gather @!p0 [hbm4b:s13+s22], $0x80, v7, vm1, $0xb8;
	[tilespmem:$0x12800] =	vst v63  }
0x1c9: {  	s4 =	simm.s32 @!p0 $0x2900  }
0x1ca: {  	[tilespmem:s4], [sflag:$0x1] =	stream.indirect_vreg.gather @!p0 [hbm4b:s14+s22], $0x80, v7, vm1, $0xb8;
	[tilespmem:$0x12800] =	vst v63  }
0x1cb: {  	v7 =	vld @!p0 [tilespmem:$0x80];
	_ =	sdelay $0x4  }
0x1cc: {  	v11 =	vshrl.u32 @!p0 v7, $0x3  }
0x1cd: {  	v11 =	vmul.u32 @!p0 $0x30, v11  }
0x1ce: {  	v7 =	vand.u32 @!p0 $0x7, v7  }
0x1cf: {  	v7 =	vor.u32 @!p0 v7, v11  }
0x1d0: {  	v8 =	vperm.xlane @!p0 v7, v8;
	_ =	sdelay $0x1  }
0x1d1: {  	v8 =	vadd.s32 @!p0 v10, v8;
	_ =	sdelay $0x3  }
0x1d2: {  	s4 =	simm.s32 @!p0 $0x3100;
	v7 =	vperm.xlane @!p0 v7, v9  }
0x1d3: {  	[tilespmem:s4], [sflag:$0x2] =	stream.indirect_vreg.gather @!p0 [hbm4b:s3+s22], $0x80, v8, vm1, $0xb8;
	[tilespmem:$0x12800] =	vst v63  }
0x1d4: {  	v7 =	vadd.s32 @!p0 v10, v7;
	s4 =	simm.s32 @!p0 $0x3900  }
0x1d5: {  	[tilespmem:s4], [sflag:$0x2] =	stream.indirect_vreg.gather @!p0 [hbm4b:s15+s22], $0x80, v8, vm1, $0xb8;
	[tilespmem:$0x12800] =	vst v63  }
0x1d6: {  	s4 =	simm.s32 @!p0 $0x4100  }
0x1d7: {  	[tilespmem:s4], [sflag:$0x2] =	stream.indirect_vreg.gather @!p0 [hbm4b:s16+s22], $0x80, v8, vm1, $0xb8;
	[tilespmem:$0x12800] =	vst v63  }
0x1d8: {  	s4 =	simm.s32 @!p0 $0x4900  }
0x1d9: {  	[tilespmem:s4], [sflag:$0x2] =	stream.indirect_vreg.gather @!p0 [hbm4b:s3+s22], $0x80, v7, vm1, $0xb8;
	[tilespmem:$0x12800] =	vst v63  }
0x1da: {  	s4 =	simm.s32 @!p0 $0x5100  }
0x1db: {  	[tilespmem:s4], [sflag:$0x2] =	stream.indirect_vreg.gather @!p0 [hbm4b:s15+s22], $0x80, v7, vm1, $0xb8;
	[tilespmem:$0x12800] =	vst v63  }
0x1dc: {  	p1 =	seq.s32 @!p0 s20, $0x0;
	s4 =	simm.s32 @!p0 $0x5900  }
0x1dd: {  	[tilespmem:s4], [sflag:$0x2] =	stream.indirect_vreg.gather @!p0 [hbm4b:s16+s22], $0x80, v7, vm1, $0xb8;
	[tilespmem:$0x12800] =	vst v63  }
0x1de: {  	p0 =	por p0, !p1  }
0x1df: {  	_ =	swait.ge @p0 [sflag:s18], $0x3000  }
0x1e0: {  	[sflag:s18] =	ssyncset.done @p0 $0x0  }
0x1e1: {  	[sflag:s18] =	ssyncadd.s32 @p0 $0xFFFFD000  }
0x1e2: {  	_ =	swait.ge [sflag:s12], $0x3000  }
0x1e3: {  	[sflag:s12] =	ssyncset.done $0x0  }
0x1e4: {  	[sflag:s12] =	ssyncadd.s32 $0xFFFFD000  }
0x1e5: {  	_ =	swait.ge [sflag:s17], $0x3000  }
0x1e6: {  	[sflag:s17] =	ssyncset.done $0x0  }
0x1e7: {  	s23 =	simm.s32 $0x0;
	s22 =	simm.s32 $0x0;
	[sflag:s17] =	ssyncadd.s32 $0xFFFFD000  }
.LBB2_9:
0x1e8: {  	s4 =	sshrl.u32 s23, $0x3  }
0x1e9: {  	s11 =	sand.u32 $0x7, s22;
	s4 =	smul.u32 $0x6000, s4  }
0x1ea: {  	s11 =	sshll.u32 s11, $0x9  }
0x1eb: {  	s4 =	sor.u32 s11, s4  }
0x1ec: {  	s24 =	sshra.s32 s4, $0x2  }
0x1ed: {  	s25 =	sadd.s32 $0x6240, s24  }
0x1ee: {  	s11 =	sadd.s32 $0x9240, s24;
	v7 =	vld [tilespmem:s25+$0xFFFFFFC0]  }
0x1ef: {  	v8 =	vld [tilespmem:s11+$0xFFFFFFC0];
	_ =	sdelay $0x4  }
0x1f0: {  	v7 =	vadd.f32 v8, v7  }
0x1f1: {  	s4 =	sadd.s32 $0xF240, s24  }
0x1f2: {  	[tilespmem:s4+$0xFFFFFFC0] =	vst v7  }
0x1f3: {  	v8 =	vld [tilespmem:s25+$0xFFFFFFD0]  }
0x1f4: {  	v9 =	vld [tilespmem:s11+$0xFFFFFFD0];
	_ =	sdelay $0x4  }
0x1f5: {  	v9 =	vadd.f32 v9, v8;
	_ =	sdelay $0x1  }
0x1f6: {  	[tilespmem:s4+$0xFFFFFFD0] =	vst v9  }
0x1f7: {  	v8 =	vld [tilespmem:s25+$0xFFFFFFE0]  }
0x1f8: {  	v10 =	vld [tilespmem:s11+$0xFFFFFFE0];
	_ =	sdelay $0x4  }
0x1f9: {  	v10 =	vadd.f32 v10, v8;
	_ =	sdelay $0x1  }
0x1fa: {  	[tilespmem:s4+$0xFFFFFFE0] =	vst v10  }
0x1fb: {  	v8 =	vld [tilespmem:s25+$0xFFFFFFF0]  }
0x1fc: {  	v11 =	vld [tilespmem:s11+$0xFFFFFFF0];
	_ =	sdelay $0x4  }
0x1fd: {  	v12 =	vadd.f32 v11, v8;
	_ =	sdelay $0x1  }
0x1fe: {  	[tilespmem:s4+$0xFFFFFFF0] =	vst v12  }
0x1ff: {  	v8 =	vld [tilespmem:s25+$0x0]  }
0x200: {  	v11 =	vld [tilespmem:s11+$0x0];
	_ =	sdelay $0x4  }
0x201: {  	v8 =	vadd.f32 v11, v8;
	_ =	sdelay $0x1  }
0x202: {  	[tilespmem:s4+$0x0] =	vst v8  }
0x203: {  	v11 =	vld [tilespmem:s25+$0x10]  }
0x204: {  	v13 =	vld [tilespmem:s11+$0x10];
	_ =	sdelay $0x4  }
0x205: {  	v11 =	vadd.f32 v13, v11;
	_ =	sdelay $0x1  }
0x206: {  	[tilespmem:s4+$0x10] =	vst v11  }
0x207: {  	v13 =	vld [tilespmem:s25+$0x20]  }
0x208: {  	v14 =	vmul.f32 v7, v7;
	v15 =	vld [tilespmem:s11+$0x20]  }
0x209: {  	v16 =	vimm.f32 $0.0e+00  }
0x20a: {  	v7 =	vadd.f32 v7, v16;
	v14 =	vadd.f32 v14, v16;
	v17 =	vmul.f32 v8, v8  }
0x20b: {  	v18 =	vmul.f32 v9, v9;
	v9 =	vadd.f32 v9, v16  }
0x20c: {  	v8 =	vadd.f32 v8, v7;
	v7 =	vadd.f32 v17, v14  }
0x20d: {  	v17 =	vadd.f32 v18, v16;
	v13 =	vadd.f32 v15, v13;
	v15 =	vmul.f32 v11, v11  }
0x20e: {  	v14 =	vmul.f32 v10, v10;
	v9 =	vadd.f32 v11, v9;
	v11 =	vadd.f32 v10, v16  }
0x20f: {  	v18 =	vmul.f32 v12, v12;
	v10 =	vadd.f32 v15, v17;
	[tilespmem:s4+$0x20] =	vst v13  }
0x210: {  	v17 =	vadd.f32 v14, v16;
	v19 =	vmul.f32 v13, v13;
	v11 =	vadd.f32 v13, v11;
	v15 =	vld [tilespmem:s25+$0x30]  }
0x211: {  	v14 =	vadd.f32 v12, v16;
	v13 =	vadd.f32 v18, v16;
	v16 =	vld [tilespmem:s11+$0x30]  }
0x212: {  	s26 =	simm.s32 $0x0;
	s24 =	sadd.s32 $0xF600, s24;
	s28 =	sadd.s32 $0x400, s4;
	v12 =	vadd.f32 v19, v17  }
.LBB2_10:
0x213: {  	s26 =	sadd.s32 $0x80, s26;
	s25 =	sadd.s32 $0x400, s25;
	s11 =	sadd.s32 $0x400, s11  }
0x214: {  	p0 =	slt.u32 s26, $0x280;
	_ =	sdelay $0x1  }
0x215: {  	v15 =	vadd.f32 v16, v15;
	_ =	sdelay $0x1  }
0x216: {  	[tilespmem:s4+$0x30] =	vst v15;
	v14 =	vadd.f32 v15, v14;
	v15 =	vmul.f32 v15, v15;
	s4 =	smov.u32 s28  }
0x217: {  	v16 =	vld [tilespmem:s25+$0xFFFFFFC0]  }
0x218: {  	v17 =	vld [tilespmem:s11+$0xFFFFFFC0];
	v13 =	vadd.f32 v15, v13;
	_ =	sdelay $0x4  }
0x219: {  	v15 =	vadd.f32 v17, v16;
	_ =	sdelay $0x1  }
0x21a: {  	[tilespmem:s28+$0xFFFFFFC0] =	vst v15;
	v16 =	vmul.f32 v15, v15  }
0x21b: {  	v17 =	vld [tilespmem:s25+$0xFFFFFFD0]  }
0x21c: {  	v18 =	vld [tilespmem:s11+$0xFFFFFFD0];
	_ =	sdelay $0x4  }
0x21d: {  	v17 =	vadd.f32 v18, v17;
	_ =	sdelay $0x1  }
0x21e: {  	[tilespmem:s28+$0xFFFFFFD0] =	vst v17;
	v18 =	vmul.f32 v17, v17  }
0x21f: {  	v19 =	vld [tilespmem:s25+$0xFFFFFFE0]  }
0x220: {  	v20 =	vld [tilespmem:s11+$0xFFFFFFE0];
	_ =	sdelay $0x4  }
0x221: {  	v19 =	vadd.f32 v20, v19;
	_ =	sdelay $0x1  }
0x222: {  	[tilespmem:s28+$0xFFFFFFE0] =	vst v19;
	v20 =	vmul.f32 v19, v19  }
0x223: {  	v21 =	vld [tilespmem:s25+$0xFFFFFFF0]  }
0x224: {  	v22 =	vld [tilespmem:s11+$0xFFFFFFF0];
	_ =	sdelay $0x4  }
0x225: {  	v21 =	vadd.f32 v22, v21;
	_ =	sdelay $0x1  }
0x226: {  	[tilespmem:s28+$0xFFFFFFF0] =	vst v21;
	v22 =	vmul.f32 v21, v21  }
0x227: {  	v23 =	vld [tilespmem:s25+$0x0]  }
0x228: {  	v24 =	vld [tilespmem:s11+$0x0];
	_ =	sdelay $0x4  }
0x229: {  	v8 =	vadd.f32 v15, v8;
	v15 =	vadd.f32 v24, v23;
	_ =	sdelay $0x1  }
0x22a: {  	v7 =	vadd.f32 v16, v7;
	[tilespmem:s28+$0x0] =	vst v15;
	v8 =	vadd.f32 v15, v8;
	v15 =	vmul.f32 v15, v15  }
0x22b: {  	v16 =	vld [tilespmem:s25+$0x10]  }
0x22c: {  	v7 =	vadd.f32 v15, v7;
	v15 =	vld [tilespmem:s11+$0x10];
	_ =	sdelay $0x4  }
0x22d: {  	v9 =	vadd.f32 v17, v9;
	v15 =	vadd.f32 v15, v16;
	_ =	sdelay $0x1  }
0x22e: {  	v10 =	vadd.f32 v18, v10;
	[tilespmem:s28+$0x10] =	vst v15;
	v9 =	vadd.f32 v15, v9;
	v15 =	vmul.f32 v15, v15  }
0x22f: {  	v16 =	vld [tilespmem:s25+$0x20]  }
0x230: {  	v10 =	vadd.f32 v15, v10;
	v15 =	vld [tilespmem:s11+$0x20];
	_ =	sdelay $0x4  }
0x231: {  	v11 =	vadd.f32 v19, v11;
	v15 =	vadd.f32 v15, v16  }
.Ltmp3:
0x232: {  	(pc) =	sbr.rel @p0 .LBB2_10-.Ltmp3, $4  }
0x233: {  	v12 =	vadd.f32 v20, v12;
	[tilespmem:s28+$0x20] =	vst v15;
	v11 =	vadd.f32 v15, v11;
	v16 =	vmul.f32 v15, v15  }
0x234: {  	v14 =	vadd.f32 v21, v14;
	v15 =	vld [tilespmem:s25+$0x30]  }
0x235: {  	v13 =	vadd.f32 v22, v13;
	v12 =	vadd.f32 v16, v12;
	v16 =	vld [tilespmem:s11+$0x30]  }
0x236: {  	s28 =	sadd.s32 $0x400, s28  }
0x237: {  	_ =	sdelay $0x2  }
0x238: {  	v15 =	vadd.f32 v16, v15;
	_ =	sdelay $0x1  }
0x239: {  	v14 =	vadd.f32 v15, v14;
	v16 =	vmul.f32 v15, v15  }
0x23a: {  	v8 =	vadd.f32 v9, v8  }
0x23b: {  	v9 =	vadd.f32 v14, v11;
	v11 =	vadd.f32 v16, v13  }
0x23c: {  	v7 =	vadd.f32 v10, v7  }
0x23d: {  	v8 =	vadd.f32 v9, v8;
	v9 =	vadd.f32 v11, v12;
	_ =	sdelay $0x1  }
0x23e: {  	v7 =	vadd.f32 v9, v7;
	v9 =	vperm.xlane v8, v3;
	_ =	sdelay $0x1  }
0x23f: {  	v8 =	vadd.f32 v9, v8;
	v9 =	vperm.xlane v7, v3;
	_ =	sdelay $0x1  }
0x240: {  	v10 =	vperm.xlane v8, v4;
	v7 =	vadd.f32 v9, v7;
	_ =	sdelay $0x1  }
0x241: {  	v8 =	vadd.f32 v10, v8;
	v9 =	vperm.xlane v7, v4;
	_ =	sdelay $0x1  }
0x242: {  	v10 =	vperm.xlane v8, v5;
	v7 =	vadd.f32 v9, v7;
	_ =	sdelay $0x1  }
0x243: {  	v8 =	vadd.f32 v10, v8;
	v9 =	vperm.xlane v7, v5;
	_ =	sdelay $0x1  }
0x244: {  	v10 =	vperm.xlane v8, v6;
	v7 =	vadd.f32 v9, v7;
	_ =	sdelay $0x1  }
0x245: {  	v8 =	vadd.f32 v10, v8;
	v9 =	vperm.xlane v7, v6;
	_ =	sdelay $0x1  }
0x246: {  	v10 =	vmul.f32 $1.302083370e-03, v8;
	v7 =	vadd.f32 v9, v7;
	_ =	sdelay $0x1  }
0x247: {  	v7 =	vmul.f32 $1.302083370e-03, v7;
	v8 =	vmul.f32 v10, v10;
	_ =	sdelay $0x1  }
0x248: {  	v7 =	vsub.f32 v7, v8;
	_ =	sdelay $0x1  }
0x249: {  	v7 =	vadd.f32 $1.000000010e-07, v7;
	_ =	sdelay $0x1  }
0x24a: {  	v8 =	vshra.s32 v7, $0x1;
	v7 =	vmul.f32 $5.000000000e-01, v7  }
0x24b: {  	v8 =	vsub.s32 $0x5F3759DF, v8  }
0x24c: {  	v9 =	vmul.f32 v8, v7;
	_ =	sdelay $0x1  }
0x24d: {  	v9 =	vmul.f32 v8, v9;
	_ =	sdelay $0x1  }
0x24e: {  	v9 =	vsub.f32 $1.500000000e+00, v9;
	_ =	sdelay $0x1  }
0x24f: {  	v8 =	vmul.f32 v8, v9;
	_ =	sdelay $0x1  }
0x250: {  	v9 =	vmul.f32 v8, v7;
	_ =	sdelay $0x1  }
0x251: {  	v9 =	vmul.f32 v9, v8;
	_ =	sdelay $0x1  }
0x252: {  	v9 =	vsub.f32 $1.500000000e+00, v9;
	_ =	sdelay $0x1  }
0x253: {  	v8 =	vmul.f32 v9, v8;
	_ =	sdelay $0x1  }
0x254: {  	v7 =	vmul.f32 v8, v7;
	_ =	sdelay $0x1  }
0x255: {  	[tilespmem:s4+$0x30] =	vst v15;
	v7 =	vmul.f32 v7, v8  }
0x256: {  	v9 =	vld [tilespmem:s24+$0xFFFFFC00]  }
0x257: {  	v7 =	vsub.f32 $1.500000000e+00, v7;
	_ =	sdelay $0x1  }
0x258: {  	s31 =	simm.s32 $0x12280;
	v11 =	vld [tilespmem:s24+$0x0];
	v8 =	vmul.f32 v7, v8  }
0x259: {  	v12 =	vld [tilespmem:s31+$0xFFFFFF80]  }
0x25a: {  	s11 =	simm.s32 $0x12580;
	v7 =	vmul.f32 v8, v10;
	v9 =	vmul.f32 v9, v8  }
0x25b: {  	v10 =	vld [tilespmem:s11+$0xFFFFFF80]  }
0x25c: {  	v13 =	vld [tilespmem:s31+$0x0];
	v9 =	vsub.f32 v9, v7  }
0x25d: {  	v11 =	vmul.f32 v11, v8  }
0x25e: {  	v14 =	vld [tilespmem:s11+$0x0];
	v9 =	vmul.f32 v9, v12  }
0x25f: {  	v11 =	vsub.f32 v11, v7;
	v12 =	vld [tilespmem:s24+$0xFFFFFC10]  }
0x260: {  	v9 =	vadd.f32 v9, v10  }
0x261: {  	v11 =	vmul.f32 v11, v13  }
0x262: {  	v10 =	vld [tilespmem:s24+$0x10];
	[tilespmem:s24+$0xFFFFFC00] =	vst v9  }
0x263: {  	v11 =	vadd.f32 v11, v14;
	v9 =	vld [tilespmem:s31+$0xFFFFFF90]  }
0x264: {  	v12 =	vmul.f32 v12, v8  }
0x265: {  	[tilespmem:s24+$0x0] =	vst v11;
	v13 =	vld [tilespmem:s11+$0xFFFFFF90]  }
0x266: {  	v11 =	vsub.f32 v12, v7;
	v12 =	vld [tilespmem:s31+$0x10]  }
0x267: {  	v10 =	vmul.f32 v10, v8  }
0x268: {  	v14 =	vld [tilespmem:s11+$0x10];
	v9 =	vmul.f32 v11, v9  }
0x269: {  	v10 =	vsub.f32 v10, v7;
	v11 =	vld [tilespmem:s24+$0xFFFFFC20]  }
0x26a: {  	v9 =	vadd.f32 v9, v13  }
0x26b: {  	v10 =	vmul.f32 v10, v12  }
0x26c: {  	[tilespmem:s24+$0xFFFFFC10] =	vst v9;
	v9 =	vld [tilespmem:s24+$0x20]  }
0x26d: {  	v10 =	vadd.f32 v10, v14;
	v12 =	vld [tilespmem:s31+$0xFFFFFFA0]  }
0x26e: {  	v11 =	vmul.f32 v11, v8  }
0x26f: {  	v14 =	vld [tilespmem:s11+$0xFFFFFFA0];
	[tilespmem:s24+$0x10] =	vst v10  }
0x270: {  	v10 =	vsub.f32 v11, v7;
	v11 =	vld [tilespmem:s31+$0x20]  }
0x271: {  	v9 =	vmul.f32 v9, v8  }
0x272: {  	v10 =	vmul.f32 v10, v12;
	v12 =	vld [tilespmem:s11+$0x20]  }
0x273: {  	v13 =	vld [tilespmem:s24+$0xFFFFFC30];
	v9 =	vsub.f32 v9, v7  }
0x274: {  	s25 =	sadd.s32 $0x800, s24;
	v18 =	vld [tilespmem:s24+$0x50];
	v10 =	vadd.f32 v10, v14  }
0x275: {  	v19 =	vld [tilespmem:s25+$0x0];
	v9 =	vmul.f32 v9, v11  }
0x276: {  	v11 =	vld [tilespmem:s24+$0x30];
	[tilespmem:s24+$0xFFFFFC20] =	vst v10  }
0x277: {  	v15 =	vld [tilespmem:s31+$0xFFFFFFB0];
	v9 =	vadd.f32 v9, v12  }
0x278: {  	v22 =	vld [tilespmem:s25+$0x10];
	v12 =	vmul.f32 v13, v8  }
0x279: {  	v16 =	vld [tilespmem:s11+$0xFFFFFFB0];
	[tilespmem:s24+$0x20] =	vst v9  }
0x27a: {  	s26 =	simm.s32 $0x12380;
	v9 =	vsub.f32 v12, v7;
	v12 =	vld [tilespmem:s31+$0x30]  }
0x27b: {  	v23 =	vld [tilespmem:s26+$0x0];
	v11 =	vmul.f32 v11, v8  }
0x27c: {  	v17 =	vld [tilespmem:s11+$0x30];
	v9 =	vmul.f32 v9, v15  }
0x27d: {  	v15 =	vld [tilespmem:s24+$0xFFFFFC40];
	v11 =	vsub.f32 v11, v7  }
0x27e: {  	v59 =	vld [tilespmem:s25+$0xFFFFFC10];
	v9 =	vadd.f32 v9, v16  }
0x27f: {  	v14 =	vld [tilespmem:s24+$0x70];
	v11 =	vmul.f32 v11, v12  }
0x280: {  	v12 =	vld [tilespmem:s24+$0x40];
	[tilespmem:s24+$0xFFFFFC30] =	vst v9  }
0x281: {  	v9 =	vld [tilespmem:s31+$0xFFFFFFC0];
	v11 =	vadd.f32 v11, v17  }
0x282: {  	v15 =	vmul.f32 v15, v8;
	v17 =	vld [tilespmem:s25+$0xFFFFFC00]  }
0x283: {  	v20 =	vld [tilespmem:s11+$0xFFFFFFC0];
	[tilespmem:s24+$0x30] =	vst v11  }
0x284: {  	v11 =	vsub.f32 v15, v7;
	v15 =	vld [tilespmem:s31+$0x40]  }
0x285: {  	v16 =	vld [tilespmem:s24+$0xFFFFFC50];
	v12 =	vmul.f32 v12, v8  }
0x286: {  	v21 =	vld [tilespmem:s11+$0x40];
	v9 =	vmul.f32 v11, v9  }
0x287: {  	v11 =	vsub.f32 v12, v7;
	v12 =	vld [tilespmem:s26+$0xFFFFFF80]  }
0x288: {  	s28 =	simm.s32 $0x12680;
	v10 =	vld [tilespmem:s24+$0xFFFFFC70];
	v17 =	vmul.f32 v17, v8;
	v9 =	vadd.f32 v9, v20  }
0x289: {  	v19 =	vmul.f32 v19, v8;
	v20 =	vld [tilespmem:s28+$0xFFFFFF80];
	v11 =	vmul.f32 v11, v15  }
0x28a: {  	v15 =	vsub.f32 v17, v7;
	v17 =	vld [tilespmem:s28+$0x0];
	[tilespmem:s24+$0xFFFFFC40] =	vst v9  }
0x28b: {  	v9 =	vsub.f32 v19, v7;
	v19 =	vld [tilespmem:s31+$0xFFFFFFD0];
	v11 =	vadd.f32 v11, v21  }
0x28c: {  	v13 =	vld [tilespmem:s24+$0x60];
	v16 =	vmul.f32 v16, v8;
	v12 =	vmul.f32 v15, v12  }
0x28d: {  	v15 =	vld [tilespmem:s11+$0xFFFFFFD0];
	v9 =	vmul.f32 v9, v23;
	[tilespmem:s24+$0x40] =	vst v11  }
0x28e: {  	v11 =	vsub.f32 v16, v7;
	v12 =	vadd.f32 v12, v20;
	v16 =	vld [tilespmem:s31+$0x50]  }
0x28f: {  	v18 =	vmul.f32 v18, v8;
	v9 =	vadd.f32 v9, v17;
	v17 =	vld [tilespmem:s11+$0x50]  }
0x290: {  	[tilespmem:s25+$0xFFFFFC00] =	vst v12;
	v12 =	vld [tilespmem:s24+$0xFFFFFC60];
	v11 =	vmul.f32 v11, v19  }
0x291: {  	v18 =	vsub.f32 v18, v7;
	v19 =	vld [tilespmem:s26+$0xFFFFFF90];
	[tilespmem:s25+$0x0] =	vst v9  }
0x292: {  	v9 =	vld [tilespmem:s28+$0x10];
	v11 =	vadd.f32 v11, v15  }
0x293: {  	v20 =	vld [tilespmem:s26+$0x10];
	v15 =	vmul.f32 v59, v8;
	v16 =	vmul.f32 v18, v16  }
0x294: {  	v60 =	vmul.f32 v22, v8;
	v18 =	vld [tilespmem:s28+$0xFFFFFF90];
	[tilespmem:s24+$0xFFFFFC50] =	vst v11  }
0x295: {  	v11 =	vsub.f32 v15, v7;
	v15 =	vld [tilespmem:s31+$0xFFFFFFE0];
	v16 =	vadd.f32 v16, v17  }
0x296: {  	v12 =	vmul.f32 v12, v8;
	v17 =	vsub.f32 v60, v7;
	v61 =	vld [tilespmem:s11+$0xFFFFFFE0]  }
0x297: {  	v11 =	vmul.f32 v11, v19;
	v19 =	vld [tilespmem:s25+$0xFFFFFC20];
	[tilespmem:s24+$0x50] =	vst v16  }
0x298: {  	v12 =	vsub.f32 v12, v7;
	v16 =	vmul.f32 v17, v20;
	v17 =	vld [tilespmem:s31+$0x60]  }
0x299: {  	v13 =	vmul.f32 v13, v8;
	v20 =	vld [tilespmem:s25+$0xFFFFFC30];
	v11 =	vadd.f32 v11, v18  }
0x29a: {  	v18 =	vld [tilespmem:s11+$0x60];
	v9 =	vadd.f32 v16, v9;
	v12 =	vmul.f32 v12, v15  }
0x29b: {  	v13 =	vsub.f32 v13, v7;
	[tilespmem:s25+$0xFFFFFC10] =	vst v11;
	v11 =	vld [tilespmem:s25+$0x20]  }
0x29c: {  	v16 =	vld [tilespmem:s26+$0xFFFFFFA0];
	[tilespmem:s25+$0x10] =	vst v9;
	v9 =	vadd.f32 v12, v61  }
0x29d: {  	v12 =	vmul.f32 v19, v8;
	v15 =	vld [tilespmem:s28+$0x20];
	v13 =	vmul.f32 v13, v17  }
0x29e: {  	v17 =	vld [tilespmem:s28+$0xFFFFFFA0];
	[tilespmem:s24+$0xFFFFFC60] =	vst v9  }
0x29f: {  	v9 =	vsub.f32 v12, v7;
	v19 =	vld [tilespmem:s31+$0xFFFFFFF0];
	v12 =	vadd.f32 v13, v18  }
0x2a0: {  	v10 =	vmul.f32 v10, v8;
	v18 =	vld [tilespmem:s26+$0x20]  }
0x2a1: {  	v62 =	vld [tilespmem:s11+$0xFFFFFFF0];
	v13 =	vmul.f32 v11, v8;
	[tilespmem:s24+$0x60] =	vst v12  }
0x2a2: {  	v10 =	vsub.f32 v10, v7;
	v9 =	vmul.f32 v9, v16;
	v12 =	vld [tilespmem:s31+$0x70]  }
0x2a3: {  	v14 =	vmul.f32 v14, v8;
	v63 =	vsub.f32 v13, v7;
	v13 =	vld [tilespmem:s25+$0x70]  }
0x2a4: {  	v11 =	vld [tilespmem:s11+$0x70];
	v9 =	vadd.f32 v9, v17;
	v19 =	vmul.f32 v10, v19  }
0x2a5: {  	v17 =	vld [tilespmem:s25+$0x30];
	v10 =	vsub.f32 v14, v7;
	v18 =	vmul.f32 v63, v18  }
0x2a6: {  	s29 =	simm.s32 $0x12680;
	s4 =	simm.s32 $0x12380;
	v16 =	vmul.f32 v20, v8;
	s11 =	simm.s32 $0x100;
	[tilespmem:s25+$0xFFFFFC20] =	vst v9;
	v9 =	vld [tilespmem:s25+$0xFFFFFC70];
	v14 =	vadd.f32 v19, v62  }
.LBB2_12:
0x2a7: {  	s11 =	sadd.s32 $0x100, s11;
	v19 =	vld [tilespmem:s26+$0xFFFFFFB0];
	v15 =	vadd.f32 v18, v15;
	v12 =	vmul.f32 v10, v12  }
0x2a8: {  	p0 =	slt.u32 s11, $0x200;
	v18 =	vld [tilespmem:s25+$0x60];
	[tilespmem:s24+$0xFFFFFC70] =	vst v14  }
0x2a9: {  	v14 =	vsub.f32 v16, v7;
	v16 =	vld [tilespmem:s28+$0xFFFFFFB0];
	[tilespmem:s25+$0x20] =	vst v15;
	v10 =	vmul.f32 v13, v8;
	v11 =	vadd.f32 v12, v11  }
0x2aa: {  	v12 =	vmul.f32 v17, v8;
	v13 =	vld [tilespmem:s26+$0x30]  }
0x2ab: {  	v15 =	vld [tilespmem:s28+$0x30];
	[tilespmem:s24+$0x70] =	vst v11;
	s24 =	smov.u32 s25  }
0x2ac: {  	v11 =	vmul.f32 v14, v19;
	v14 =	vld [tilespmem:s25+$0xFFFFFC40];
	v12 =	vsub.f32 v12, v7  }
0x2ad: {  	v17 =	vld [tilespmem:s25+$0x50];
	v18 =	vmul.f32 v18, v8  }
0x2ae: {  	v11 =	vadd.f32 v11, v16;
	v16 =	vld [tilespmem:s25+$0xFFFFFC50]  }
0x2af: {  	s25 =	sadd.s32 $0x800, s25;
	v12 =	vmul.f32 v12, v13;
	v13 =	vld [tilespmem:s24+$0x40]  }
0x2b0: {  	v19 =	vld [tilespmem:s25+$0x0];
	[tilespmem:s24+$0xFFFFFC30] =	vst v11  }
0x2b1: {  	v11 =	vmul.f32 v14, v8;
	v14 =	vld [tilespmem:s26+$0xFFFFFFC0];
	v12 =	vadd.f32 v12, v15  }
0x2b2: {  	v15 =	vld [tilespmem:s25+$0xFFFFFC00]  }
0x2b3: {  	v11 =	vsub.f32 v11, v7;
	v20 =	vld [tilespmem:s28+$0xFFFFFFC0];
	[tilespmem:s24+$0x30] =	vst v12  }
0x2b4: {  	v12 =	vmul.f32 v13, v8;
	v13 =	vld [tilespmem:s26+$0x40]  }
0x2b5: {  	v21 =	vld [tilespmem:s28+$0x40]  }
0x2b6: {  	s26 =	sadd.s32 $0x100, s26;
	v22 =	vld [tilespmem:s25+$0x10];
	v11 =	vmul.f32 v11, v14;
	v12 =	vsub.f32 v12, v7  }
0x2b7: {  	v14 =	vld [tilespmem:s26+$0xFFFFFF80]  }
0x2b8: {  	s28 =	sadd.s32 $0x100, s28;
	v15 =	vmul.f32 v15, v8;
	v23 =	vld [tilespmem:s26+$0x0];
	v11 =	vadd.f32 v11, v20  }
0x2b9: {  	v19 =	vmul.f32 v19, v8;
	v20 =	vld [tilespmem:s28+$0xFFFFFF80];
	v12 =	vmul.f32 v12, v13  }
0x2ba: {  	v13 =	vsub.f32 v15, v7;
	v15 =	vld [tilespmem:s28+$0x0];
	[tilespmem:s24+$0xFFFFFC40] =	vst v11  }
0x2bb: {  	v16 =	vmul.f32 v16, v8;
	v11 =	vsub.f32 v19, v7;
	v19 =	vld [tilespmem:s4+$0xFFFFFFD0];
	v12 =	vadd.f32 v12, v21  }
0x2bc: {  	v13 =	vmul.f32 v13, v14;
	v14 =	vld [tilespmem:s29+$0xFFFFFFD0]  }
0x2bd: {  	v16 =	vsub.f32 v16, v7;
	v21 =	vld [tilespmem:s25+$0xFFFFFC10];
	v11 =	vmul.f32 v11, v23;
	[tilespmem:s24+$0x40] =	vst v12  }
0x2be: {  	v12 =	vadd.f32 v13, v20;
	v13 =	vmul.f32 v17, v8;
	v17 =	vld [tilespmem:s4+$0x50]  }
0x2bf: {  	v11 =	vadd.f32 v11, v15;
	v15 =	vld [tilespmem:s29+$0x50]  }
0x2c0: {  	[tilespmem:s25+$0xFFFFFC00] =	vst v12;
	v12 =	vmul.f32 v16, v19;
	v16 =	vld [tilespmem:s24+$0xFFFFFC60];
	v13 =	vsub.f32 v13, v7  }
0x2c1: {  	v19 =	vld [tilespmem:s26+$0xFFFFFF90];
	[tilespmem:s25+$0x0] =	vst v11  }
0x2c2: {  	v11 =	vmul.f32 v21, v8;
	v20 =	vld [tilespmem:s28+$0x10];
	v12 =	vadd.f32 v12, v14  }
0x2c3: {  	v14 =	vld [tilespmem:s26+$0x10];
	v13 =	vmul.f32 v13, v17  }
0x2c4: {  	v21 =	vmul.f32 v22, v8;
	v11 =	vsub.f32 v11, v7;
	v17 =	vld [tilespmem:s28+$0xFFFFFF90];
	[tilespmem:s24+$0xFFFFFC50] =	vst v12  }
0x2c5: {  	v12 =	vmul.f32 v16, v8;
	v16 =	vld [tilespmem:s4+$0xFFFFFFE0];
	v13 =	vadd.f32 v13, v15  }
0x2c6: {  	v15 =	vsub.f32 v21, v7;
	v11 =	vmul.f32 v11, v19;
	v19 =	vld [tilespmem:s29+$0xFFFFFFE0]  }
0x2c7: {  	v21 =	vld [tilespmem:s25+$0xFFFFFC20];
	v12 =	vsub.f32 v12, v7;
	[tilespmem:s24+$0x50] =	vst v13  }
0x2c8: {  	v13 =	vmul.f32 v15, v14;
	v14 =	vld [tilespmem:s4+$0x60]  }
0x2c9: {  	v11 =	vadd.f32 v11, v17;
	v17 =	vld [tilespmem:s29+$0x60]  }
0x2ca: {  	v22 =	vld [tilespmem:s25+$0xFFFFFC30];
	v13 =	vadd.f32 v13, v20;
	v12 =	vmul.f32 v12, v16;
	v16 =	vsub.f32 v18, v7  }
0x2cb: {  	[tilespmem:s25+$0xFFFFFC10] =	vst v11;
	v11 =	vld [tilespmem:s25+$0x20]  }
0x2cc: {  	v18 =	vmul.f32 v21, v8;
	v20 =	vld [tilespmem:s26+$0xFFFFFFA0];
	[tilespmem:s25+$0x10] =	vst v13;
	v12 =	vadd.f32 v12, v19  }
0x2cd: {  	v15 =	vld [tilespmem:s28+$0x20];
	v13 =	vmul.f32 v16, v14  }
0x2ce: {  	v9 =	vmul.f32 v9, v8;
	v14 =	vld [tilespmem:s28+$0xFFFFFFA0];
	[tilespmem:s24+$0xFFFFFC60] =	vst v12  }
0x2cf: {  	v12 =	vsub.f32 v18, v7;
	v16 =	vmul.f32 v22, v8;
	v18 =	vld [tilespmem:s4+$0xFFFFFFF0];
	v13 =	vadd.f32 v13, v17  }
0x2d0: {  	v11 =	vmul.f32 v11, v8;
	v17 =	vld [tilespmem:s26+$0x20]  }
0x2d1: {  	v9 =	vsub.f32 v9, v7;
	v19 =	vld [tilespmem:s29+$0xFFFFFFF0];
	[tilespmem:s24+$0x60] =	vst v13  }
.Ltmp4:
0x2d2: {  	v13 =	vmul.f32 v12, v20;
	v20 =	vsub.f32 v11, v7;
	v12 =	vld [tilespmem:s4+$0x70];
	s4 =	smov.u32 s26;
	(pc) =	sbr.rel @p0 .LBB2_12-.Ltmp4, $4  }
0x2d3: {  	v11 =	vld [tilespmem:s29+$0x70];
	s29 =	smov.u32 s28  }
0x2d4: {  	v10 =	vsub.f32 v10, v7;
	v14 =	vadd.f32 v13, v14;
	v13 =	vld [tilespmem:s25+$0x70];
	v21 =	vmul.f32 v9, v18  }
0x2d5: {  	v18 =	vmul.f32 v20, v17;
	v17 =	vld [tilespmem:s25+$0x30]  }
0x2d6: {  	[tilespmem:s25+$0xFFFFFC20] =	vst v14;
	v9 =	vld [tilespmem:s25+$0xFFFFFC70];
	v14 =	vadd.f32 v21, v19  }
0x2d7: {  	v15 =	vadd.f32 v18, v15;
	_ =	sdelay $0x1  }
0x2d8: {  	v19 =	vld [tilespmem:s26+$0xFFFFFFB0];
	[tilespmem:s25+$0x20] =	vst v15  }
0x2d9: {  	v15 =	vld [tilespmem:s26+$0x30]  }
0x2da: {  	v20 =	vld [tilespmem:s28+$0xFFFFFFB0];
	v17 =	vmul.f32 v17, v8  }
0x2db: {  	v16 =	vsub.f32 v16, v7;
	v21 =	vld [tilespmem:s28+$0x30]  }
0x2dc: {  	v17 =	vsub.f32 v17, v7  }
0x2dd: {  	v16 =	vmul.f32 v16, v19  }
0x2de: {  	v42 =	vld [tilespmem:s25+$0xFFFFFC40];
	v15 =	vmul.f32 v17, v15  }
0x2df: {  	v43 =	vld [tilespmem:s25+$0x40];
	v16 =	vadd.f32 v16, v20  }
0x2e0: {  	v15 =	vadd.f32 v15, v21  }
0x2e1: {  	[tilespmem:s25+$0xFFFFFC30] =	vst v16  }
0x2e2: {  	v16 =	vld [tilespmem:s26+$0xFFFFFFC0];
	[tilespmem:s25+$0x30] =	vst v15  }
0x2e3: {  	v46 =	vmul.f32 v42, v8;
	v47 =	vld [tilespmem:s26+$0x40]  }
0x2e4: {  	v17 =	vmul.f32 v43, v8;
	v22 =	vld [tilespmem:s28+$0xFFFFFFC0]  }
0x2e5: {  	v15 =	vsub.f32 v46, v7;
	v23 =	vld [tilespmem:s28+$0x40]  }
0x2e6: {  	v17 =	vsub.f32 v17, v7  }
0x2e7: {  	v15 =	vmul.f32 v15, v16  }
0x2e8: {  	v44 =	vld [tilespmem:s25+$0xFFFFFC50];
	v48 =	vmul.f32 v17, v47  }
0x2e9: {  	v45 =	vld [tilespmem:s25+$0x50];
	v15 =	vadd.f32 v15, v22  }
0x2ea: {  	v16 =	vadd.f32 v48, v23  }
0x2eb: {  	[tilespmem:s25+$0xFFFFFC40] =	vst v15  }
0x2ec: {  	v15 =	vld [tilespmem:s4+$0xFFFFFFD0];
	[tilespmem:s25+$0x40] =	vst v16  }
0x2ed: {  	v49 =	vmul.f32 v44, v8;
	v50 =	vld [tilespmem:s4+$0x50]  }
0x2ee: {  	v52 =	vmul.f32 v45, v8;
	v51 =	vld [tilespmem:s29+$0xFFFFFFD0]  }
0x2ef: {  	v16 =	vsub.f32 v49, v7;
	v53 =	vld [tilespmem:s29+$0x50]  }
0x2f0: {  	v20 =	vsub.f32 v52, v7  }
0x2f1: {  	v15 =	vmul.f32 v16, v15  }
0x2f2: {  	v55 =	vld [tilespmem:s25+$0xFFFFFC60];
	v54 =	vmul.f32 v20, v50  }
0x2f3: {  	v41 =	vld [tilespmem:s25+$0x60];
	v15 =	vadd.f32 v15, v51  }
0x2f4: {  	v16 =	vadd.f32 v54, v53  }
0x2f5: {  	[tilespmem:s25+$0xFFFFFC50] =	vst v15  }
0x2f6: {  	v15 =	vld [tilespmem:s4+$0xFFFFFFE0];
	[tilespmem:s25+$0x50] =	vst v16  }
0x2f7: {  	v56 =	vmul.f32 v55, v8;
	v57 =	vld [tilespmem:s4+$0x60]  }
0x2f8: {  	v18 =	vmul.f32 v41, v8;
	v58 =	vld [tilespmem:s29+$0xFFFFFFE0]  }
0x2f9: {  	v16 =	vsub.f32 v56, v7;
	v59 =	vld [tilespmem:s29+$0x60]  }
0x2fa: {  	v18 =	vsub.f32 v18, v7  }
0x2fb: {  	v15 =	vmul.f32 v16, v15  }
0x2fc: {  	v60 =	vmul.f32 v18, v57  }
0x2fd: {  	v15 =	vadd.f32 v15, v58  }
0x2fe: {  	v16 =	vadd.f32 v60, v59  }
0x2ff: {  	[tilespmem:s25+$0xFFFFFC60] =	vst v15  }
0x300: {  	v15 =	vld [tilespmem:s4+$0xFFFFFFF0];
	[tilespmem:s25+$0x60] =	vst v16  }
0x301: {  	v9 =	vmul.f32 v9, v8;
	v16 =	vld [tilespmem:s4+$0x70]  }
0x302: {  	v8 =	vmul.f32 v13, v8;
	v61 =	vld [tilespmem:s29+$0xFFFFFFF0]  }
0x303: {  	v9 =	vsub.f32 v9, v7;
	v62 =	vld [tilespmem:s29+$0x70]  }
0x304: {  	v10 =	vmul.f32 v10, v12;
	s23 =	sadd.s32 $0x1, s23;
	v7 =	vsub.f32 v8, v7  }
0x305: {  	p0 =	sne.s32 s23, $0x10;
	v8 =	vmul.f32 v9, v15  }
.Ltmp5:
0x306: {  	v63 =	vadd.f32 v10, v11;
	v7 =	vmul.f32 v7, v16;
	(pc) =	sbr.rel @p0 .LBB2_9-.Ltmp5, $4  }
0x307: {  	[tilespmem:s24+$0xFFFFFC70] =	vst v14;
	v8 =	vadd.f32 v8, v61  }
0x308: {  	[tilespmem:s24+$0x70] =	vst v63;
	v7 =	vadd.f32 v7, v62  }
0x309: {  	[tilespmem:s25+$0xFFFFFC70] =	vst v8  }
0x30a: {  	s22 =	sadd.s32 $0x1, s22;
	[tilespmem:s25+$0x70] =	vst v7  }
0x30b: {  	s20 =	sadd.s32 $0x1, s20  }
0x30c: {  	p0 =	sne.s32 s20, $0x10  }
.Ltmp6:
0x30d: {  	_ = 	snop;
	(pc) =	sbr.rel @p0 .LBB2_2-.Ltmp6, $3  }
0x30e: {  	s4 =	smul.u32 $0x300, s21;
	_ =	sdelay $0x1  }
0x30f: {  	s4 =	sadd.s32 s8, s4  }
0x310: {  	[hbm4b:s4+s9] =	stream.linear.scatter [tilespmem:s7], [sflag:$0x6], $0x3000, $0x38;
	[tilespmem:$0x12800] =	vst v63  }
0x311: {  	s4 =	simm.s32 $0x5  }
0x312: {  	_ =	swait.ge [sflag:s4], $0x3000  }
0x313: {  	[sflag:s4] =	ssyncset.done $0x0  }
0x314: {  	[sflag:s4] =	ssyncadd.s32 $0xFFFFD000  }
0x315: {  	_ =	swait.ge [sflag:s18], $0x3000  }
0x316: {  	s11 =	rddreg [dreg:$0xb]  }
0x317: {  	s31 =	rddreg [dreg:$0xa];
	s11 =	sadd.s32 $0x1, s11  }
0x318: {  	p0 =	sne.s32 s11, s31  }
.Ltmp7:
0x319: {  	_ = 	snop;
	(pc) =	sbr.rel @p0 .LBB2_1-.Ltmp7, $3  }
0x31a: {  	_ =	sdelay $0x1  }
0x31b: {  	[sflag:s18] =	ssyncset.done $0x0  }
0x31c: {  	[sflag:s18] =	ssyncadd.s32 $0xFFFFD000  }
0x31d: {  	_ =	sfence.sel $0x180000  }
0x31e: {  	[bflag:$0x0] =	sbarrier.arrive $0xFFFF  }
0x31f: {  	_ =	strace $0x90000047  }
0x320: {  	s0 =	stileid.u32;
	[bflag:$0x2] =	sbarrier.arrive $0xFFFF  }
0x321: {  	p0 =	sne.s32 s0, $0x0;
	s0 =	rddreg [dreg:$0x7]  }
0x322: {  	s0 =	sadd.s32 @!p0 $0x100000, s0  }
0x323: {  	[sflag:s0] =	ssyncadd.tile.s32 @!p0 $0x1;
	_ =	shalt  }
.Lfunc_end2:
_tile_overlayer_lowered:
.L_overlay_start_2:
0x324: {  	(tag) =	ssettag $0x2  }
0x325: {  	s0 =	rddreg [dreg:$0x0];
	s2 =	stileid.u32  }
0x326: {  	s1 =	rddreg [dreg:$0x1];
	p0 =	sne.s32 s2, $0x0  }
0x327: {  	s3 =	rddreg [dreg:$0x2];
	[bflag:$0x3] =	sbarrier.arrive $0xFFFF;
	s2 =	simm.s32 @!p0 $0x1C07  }
0x328: {  	[timem:s3], [sflag:s2] =	dma.local @!p0 [hbm:s0], s1  }
0x329: {  	s0 =	simm.s32 @!p0 $0x7  }
0x32a: {  	_ =	swait.ge @!p0 [sflag:s0], s1  }
0x32b: {  	s1 =	ssub.s32 @!p0 $0x0, s1;
	[sflag:s0] =	ssyncset.done @!p0 $0x0  }
0x32c: {  	[sflag:s0] =	ssyncadd.s32 @!p0 s1  }
0x32d: {  	[bflag:$0x3] =	sbarrier.arrive $0xFFFF  }
0x32e: {  	_ =	shalt  }

</sc_bundles>
